<compile_context>
chip_gen: v7x
topology: tpu7x:2x2x1
jax: 0.10.2.dev20260603
libtpu: 0.0.44.dev20260713+nightly
codegen_flags: <defaults>
</compile_context>

<pallas_src>
import functools

import jax
import jax.numpy as jnp
from jax import lax
from jax.experimental import pallas as pl
from jax.experimental.pallas import tpu as pltpu
from jax.experimental.pallas import tpu_sc as plsc

N_ACTIONS = 100000
A_DIM = 16
BATCH = 16384
HIST = 200
B_TOTAL = BATCH * HIST

_NC = 2
_NS = 16
_NW = _NC * _NS

_ROWS_W = BATCH // _NW
_R = 2
_CHUNK = _R * HIST
_N_CHUNKS = _ROWS_W // _R
_NBUF = 4
_K = 2

_TAB_ROWS_S = N_ACTIONS // _NS


def _embed_kernel(idx_hbm, table_hbm, out_hbm, table_sh,
                  idx_vs, rows_vs, sem_t, sem_is, sem_gs, sem_os):
    sid = lax.axis_index("s")
    wid = sid * _NC + lax.axis_index("c")
    row_w = wid * _ROWS_W
    last = _N_CHUNKS - 1

    slab = pl.ds(sid * _TAB_ROWS_S, _TAB_ROWS_S)
    pltpu.async_copy(table_hbm.at[slab], table_sh.at[slab], sem_t).wait()
    plsc.subcore_barrier()

    def start_idx(c, b):
        cc = jnp.minimum(c, last)
        pltpu.async_copy(idx_hbm.at[pl.ds((row_w + cc * _R) * HIST, _CHUNK)],
                         idx_vs[b], sem_is[b])

    def wait_idx(b):
        pltpu.make_async_copy(idx_hbm.at[pl.ds(0, _CHUNK)],
                              idx_vs[b], sem_is[b]).wait()

    def fire_gather(b):
        pltpu.async_copy(table_sh.at[idx_vs[b]], rows_vs[b], sem_gs[b])

    def wait_gather(b):
        pltpu.make_async_copy(table_sh.at[idx_vs[b]], rows_vs[b],
                              sem_gs[b]).wait()

    def fire_store(c, b):
        pltpu.async_copy(rows_vs[b],
                         out_hbm.at[pl.ds((row_w + c * _R) * HIST, _CHUNK)],
                         sem_os[b])

    def wait_store(b):
        pltpu.make_async_copy(rows_vs[b], out_hbm.at[pl.ds(0, _CHUNK)],
                              sem_os[b]).wait()

    for b in range(_NBUF):
        start_idx(b, b)
    for b in range(_K):
        wait_idx(b)
        fire_gather(b)

    def outer(g, carry):
        for b in range(_NBUF):
            c = g * _NBUF + b
            b2 = (b + _K) % _NBUF
            wait_gather(b)
            fire_store(c, b)
            start_idx(c + _NBUF, b)

            @pl.when(c + _K < _N_CHUNKS)
            def _fire_ahead():
                wait_idx(b2)

                @pl.when(c + _K >= _NBUF)
                def _reuse():
                    wait_store(b2)
                fire_gather(b2)
        return carry

    lax.fori_loop(0, _N_CHUNKS // _NBUF, outer, 0)

    for b in range(_NBUF):
        wait_idx(b)
        wait_store(b)


@jax.jit
def _embed(a_flat, emb_weight):
    mesh = plsc.VectorSubcoreMesh(core_axis_name="c", subcore_axis_name="s")
    run = pl.kernel(
        functools.partial(_wrapped),
        out_type=jax.ShapeDtypeStruct((B_TOTAL, A_DIM), jnp.float32),
        mesh=mesh,
        scratch_types=(
            [pltpu.VMEM_SHARED((N_ACTIONS, A_DIM), jnp.float32)]
            + [pltpu.VMEM((_CHUNK,), jnp.int32) for _ in range(_NBUF)]
            + [pltpu.VMEM((_CHUNK, A_DIM), jnp.float32) for _ in range(_NBUF)]
            + [pltpu.SemaphoreType.DMA for _ in range(1 + 3 * _NBUF)]
        ),
        compiler_params=pltpu.CompilerParams(use_tc_tiling_on_sc=False),
    )
    return run(a_flat, emb_weight)


def _wrapped(idx_hbm, table_hbm, out_hbm, table_sh, *rest):
    idx_vs = rest[0:_NBUF]
    rows_vs = rest[_NBUF:2 * _NBUF]
    sem_t = rest[2 * _NBUF]
    sem_is = rest[2 * _NBUF + 1: 3 * _NBUF + 1]
    sem_gs = rest[3 * _NBUF + 1: 4 * _NBUF + 1]
    sem_os = rest[4 * _NBUF + 1: 5 * _NBUF + 1]
    _embed_kernel(idx_hbm, table_hbm, out_hbm, table_sh,
                  idx_vs, rows_vs, sem_t, sem_is, sem_gs, sem_os)


def kernel(a, emb_weight):
    a_flat = a.astype(jnp.int32).reshape(B_TOTAL)
    return _embed(a_flat, emb_weight).reshape(BATCH, HIST, A_DIM)

# --- scband reference (transcript-rebuilt; emitter-appended) ---
"""Pipeline reference for scband-action-embed-28329604285112 (READ-ONLY COPY).

The authoritative reference and input builder live on the scoring server;
editing this copy changes nothing except your own understanding.
"""

import jax, jax.numpy as jnp
import numpy as np

N_ACTIONS = 100000
A_DIM = 16
BATCH = 16384
HIST = 200

def setup_inputs(seed: int = 0) -> dict:
    key = jax.random.key(seed)
    k_idx, k_tab = jax.random.split(key)
    a = jax.random.randint(k_idx, (BATCH, HIST), 0, N_ACTIONS, dtype=jnp.int64 if jax.config.jax_enable_x64 else jnp.int32)
    emb_weight = jax.random.normal(k_tab, (N_ACTIONS, A_DIM), dtype=jnp.float32)
    return {"a": a, "emb_weight": emb_weight}

def reference(a, emb_weight):
    # nn.Embedding(n_actions, a_dim)(a.long()) == table[a]
    return jnp.take(emb_weight, a.astype(jnp.int32), axis=0)

if __name__ == "__main__":
    import jax
    _d = setup_inputs()
    print(jax.jit(kernel)(*tuple(_d.values())))

</pallas_src>

<mosaic_0001>
#map = affine_map<(d0, d1) -> (0)>
#map1 = affine_map<(d0, d1) -> (0, 0)>
module attributes {stable_mosaic.version = 14 : i64} {
  func.func @_wrapped(%arg0: i32, %arg1: i32, %arg2: memref<3276800xi32, #tpu.memory_space<hbm>>, %arg3: memref<100000x16xf32, #tpu.memory_space<hbm>>, %arg4: memref<3276800x16xf32, #tpu.memory_space<hbm>>, %arg5: memref<100000x16xf32, #tpu.memory_space<vmem_shared>>, %arg6: memref<400xi32, #tpu.memory_space<vmem>>, %arg7: memref<400xi32, #tpu.memory_space<vmem>>, %arg8: memref<400xi32, #tpu.memory_space<vmem>>, %arg9: memref<400xi32, #tpu.memory_space<vmem>>, %arg10: memref<400x16xf32, #tpu.memory_space<vmem>>, %arg11: memref<400x16xf32, #tpu.memory_space<vmem>>, %arg12: memref<400x16xf32, #tpu.memory_space<vmem>>, %arg13: memref<400x16xf32, #tpu.memory_space<vmem>>, %arg14: memref<!tpu.dma_semaphore, #tpu.memory_space<semaphore_mem>>, %arg15: memref<!tpu.dma_semaphore, #tpu.memory_space<semaphore_mem>>, %arg16: memref<!tpu.dma_semaphore, #tpu.memory_space<semaphore_mem>>, %arg17: memref<!tpu.dma_semaphore, #tpu.memory_space<semaphore_mem>>, %arg18: memref<!tpu.dma_semaphore, #tpu.memory_space<semaphore_mem>>, %arg19: memref<!tpu.dma_semaphore, #tpu.memory_space<semaphore_mem>>, %arg20: memref<!tpu.dma_semaphore, #tpu.memory_space<semaphore_mem>>, %arg21: memref<!tpu.dma_semaphore, #tpu.memory_space<semaphore_mem>>, %arg22: memref<!tpu.dma_semaphore, #tpu.memory_space<semaphore_mem>>, %arg23: memref<!tpu.dma_semaphore, #tpu.memory_space<semaphore_mem>>, %arg24: memref<!tpu.dma_semaphore, #tpu.memory_space<semaphore_mem>>, %arg25: memref<!tpu.dma_semaphore, #tpu.memory_space<semaphore_mem>>, %arg26: memref<!tpu.dma_semaphore, #tpu.memory_space<semaphore_mem>>) attributes {dimension_semantics = [#tpu.dimension_semantics<core_parallel>, #tpu.dimension_semantics<subcore_parallel>], iteration_bounds = array<i64: 2, 16>, scalar_prefetch = 0 : i64, scratch_operands = 22 : i64, tpu.core_type = #tpu.core_type<sc_vector_subcore>, window_params = [{transform_indices = #map}, {transform_indices = #map1}, {transform_indices = #map1}]} {
    %mul3A = arith.constant 2 : i32
    %mul3A_0 = arith.muli %arg1, %mul3A : i32
    %add3A = arith.addi %mul3A_0, %arg0 : i32
    %mul3A_1 = arith.constant 512 : i32
    %mul3A_2 = arith.muli %add3A, %mul3A_1 : i32
    %mul3A_3 = arith.constant 6250 : i32
    %mul3A_4 = arith.muli %arg1, %mul3A_3 : i32
    %dma_start3A = arith.constant 0 : i32
    %dma_start3A_5 = tpu.memref_slice %arg5[%mul3A_4, %dma_start3A] : memref<100000x16xf32, #tpu.memory_space<vmem_shared>> -> memref<6250x16xf32, #tpu.memory_space<vmem_shared>>
    %dma_start3A_6 = arith.constant 0 : i32
    %dma_start3A_7 = tpu.memref_slice %arg3[%mul3A_4, %dma_start3A_6] : memref<100000x16xf32, #tpu.memory_space<hbm>> -> memref<6250x16xf32, #tpu.memory_space<hbm>>
    tpu.enqueue_dma source(%dma_start3A_7 : memref<6250x16xf32, #tpu.memory_space<hbm>>) target(%dma_start3A_5 : memref<6250x16xf32, #tpu.memory_space<vmem_shared>>) target_semaphore(%arg14 : memref<!tpu.dma_semaphore, #tpu.memory_space<semaphore_mem>>)
    %dma_wait3A = arith.constant 0 : i32
    %dma_wait3A_8 = tpu.memref_slice %arg5[%mul3A_4, %dma_wait3A] : memref<100000x16xf32, #tpu.memory_space<vmem_shared>> -> memref<6250x16xf32, #tpu.memory_space<vmem_shared>>
    %dma_wait3A_9 = arith.constant 0 : i32
    %dma_wait3A_10 = tpu.memref_slice %arg3[%mul3A_4, %dma_wait3A_9] : memref<100000x16xf32, #tpu.memory_space<hbm>> -> memref<6250x16xf32, #tpu.memory_space<hbm>>
    tpu.wait_dma2 semaphore(%arg14 : memref<!tpu.dma_semaphore, #tpu.memory_space<semaphore_mem>>) src(%dma_wait3A_10 : memref<6250x16xf32, #tpu.memory_space<hbm>>) dst(%dma_wait3A_8 : memref<6250x16xf32, #tpu.memory_space<vmem_shared>>)
    %barrier3A = arith.constant 0 : index
    tpu.barrier barrier_id(%barrier3A)
    %min3A = arith.constant 0 : i32
    %min3A_11 = arith.constant 255 : i32
    %min3A_12 = arith.minsi %min3A, %min3A_11 : i32
    %mul3A_13 = arith.constant 2 : i32
    %mul3A_14 = arith.muli %min3A_12, %mul3A_13 : i32
    %add3A_15 = arith.addi %mul3A_2, %mul3A_14 : i32
    %mul3A_16 = arith.constant 200 : i32
    %mul3A_17 = arith.muli %add3A_15, %mul3A_16 : i32
    %dma_start3A_18 = tpu.memref_slice %arg2[%mul3A_17] : memref<3276800xi32, #tpu.memory_space<hbm>> -> memref<400xi32, #tpu.memory_space<hbm>>
    %dma_start3A_19 = tpu.memref_slice %arg2[%mul3A_17] : memref<3276800xi32, #tpu.memory_space<hbm>> -> memref<400xi32, #tpu.memory_space<hbm>>
    tpu.enqueue_dma source(%dma_start3A_19 : memref<400xi32, #tpu.memory_space<hbm>>) target(%arg6 : memref<400xi32, #tpu.memory_space<vmem>>) target_semaphore(%arg15 : memref<!tpu.dma_semaphore, #tpu.memory_space<semaphore_mem>>)
    %min3A_20 = arith.constant 1 : i32
    %min3A_21 = arith.constant 255 : i32
    %min3A_22 = arith.minsi %min3A_20, %min3A_21 : i32
    %mul3A_23 = arith.constant 2 : i32
    %mul3A_24 = arith.muli %min3A_22, %mul3A_23 : i32
    %add3A_25 = arith.addi %mul3A_2, %mul3A_24 : i32
    %mul3A_26 = arith.constant 200 : i32
    %mul3A_27 = arith.muli %add3A_25, %mul3A_26 : i32
    %dma_start3A_28 = tpu.memref_slice %arg2[%mul3A_27] : memref<3276800xi32, #tpu.memory_space<hbm>> -> memref<400xi32, #tpu.memory_space<hbm>>
    %dma_start3A_29 = tpu.memref_slice %arg2[%mul3A_27] : memref<3276800xi32, #tpu.memory_space<hbm>> -> memref<400xi32, #tpu.memory_space<hbm>>
    tpu.enqueue_dma source(%dma_start3A_29 : memref<400xi32, #tpu.memory_space<hbm>>) target(%arg7 : memref<400xi32, #tpu.memory_space<vmem>>) target_semaphore(%arg16 : memref<!tpu.dma_semaphore, #tpu.memory_space<semaphore_mem>>)
    %min3A_30 = arith.constant 2 : i32
    %min3A_31 = arith.constant 255 : i32
    %min3A_32 = arith.minsi %min3A_30, %min3A_31 : i32
    %mul3A_33 = arith.constant 2 : i32
    %mul3A_34 = arith.muli %min3A_32, %mul3A_33 : i32
    %add3A_35 = arith.addi %mul3A_2, %mul3A_34 : i32
    %mul3A_36 = arith.constant 200 : i32
    %mul3A_37 = arith.muli %add3A_35, %mul3A_36 : i32
    %dma_start3A_38 = tpu.memref_slice %arg2[%mul3A_37] : memref<3276800xi32, #tpu.memory_space<hbm>> -> memref<400xi32, #tpu.memory_space<hbm>>
    %dma_start3A_39 = tpu.memref_slice %arg2[%mul3A_37] : memref<3276800xi32, #tpu.memory_space<hbm>> -> memref<400xi32, #tpu.memory_space<hbm>>
    tpu.enqueue_dma source(%dma_start3A_39 : memref<400xi32, #tpu.memory_space<hbm>>) target(%arg8 : memref<400xi32, #tpu.memory_space<vmem>>) target_semaphore(%arg17 : memref<!tpu.dma_semaphore, #tpu.memory_space<semaphore_mem>>)
    %min3A_40 = arith.constant 3 : i32
    %min3A_41 = arith.constant 255 : i32
    %min3A_42 = arith.minsi %min3A_40, %min3A_41 : i32
    %mul3A_43 = arith.constant 2 : i32
    %mul3A_44 = arith.muli %min3A_42, %mul3A_43 : i32
    %add3A_45 = arith.addi %mul3A_2, %mul3A_44 : i32
    %mul3A_46 = arith.constant 200 : i32
    %mul3A_47 = arith.muli %add3A_45, %mul3A_46 : i32
    %dma_start3A_48 = tpu.memref_slice %arg2[%mul3A_47] : memref<3276800xi32, #tpu.memory_space<hbm>> -> memref<400xi32, #tpu.memory_space<hbm>>
    %dma_start3A_49 = tpu.memref_slice %arg2[%mul3A_47] : memref<3276800xi32, #tpu.memory_space<hbm>> -> memref<400xi32, #tpu.memory_space<hbm>>
    tpu.enqueue_dma source(%dma_start3A_49 : memref<400xi32, #tpu.memory_space<hbm>>) target(%arg9 : memref<400xi32, #tpu.memory_space<vmem>>) target_semaphore(%arg18 : memref<!tpu.dma_semaphore, #tpu.memory_space<semaphore_mem>>)
    %dma_wait3A_50 = arith.constant 0 : i32
    %dma_wait3A_51 = tpu.memref_slice %arg2[%dma_wait3A_50] : memref<3276800xi32, #tpu.memory_space<hbm>> -> memref<400xi32, #tpu.memory_space<hbm>>
    %dma_wait3A_52 = arith.constant 0 : i32
    %dma_wait3A_53 = tpu.memref_slice %arg2[%dma_wait3A_52] : memref<3276800xi32, #tpu.memory_space<hbm>> -> memref<400xi32, #tpu.memory_space<hbm>>
    tpu.wait_dma2 semaphore(%arg15 : memref<!tpu.dma_semaphore, #tpu.memory_space<semaphore_mem>>) src(%dma_wait3A_53 : memref<400xi32, #tpu.memory_space<hbm>>) dst(%arg6 : memref<400xi32, #tpu.memory_space<vmem>>)
    %dma_start3A_54 = arith.constant 0 : i32
    %dma_start3A_55 = arith.constant 0 : i32
    %dma_start3A_56 = tpu.memref_slice %arg5[%dma_start3A_54, %dma_start3A_55] : memref<100000x16xf32, #tpu.memory_space<vmem_shared>> -> memref<100000x16xf32, #tpu.memory_space<vmem_shared>>
    tpu.enqueue_indirect_dma source(%dma_start3A_56 : memref<100000x16xf32, #tpu.memory_space<vmem_shared>>) target(%arg10 : memref<400x16xf32, #tpu.memory_space<vmem>>) offsets(%arg6 : memref<400xi32, #tpu.memory_space<vmem>>) semaphore(%arg19 : memref<!tpu.dma_semaphore, #tpu.memory_space<semaphore_mem>>)
    %dma_wait3A_57 = arith.constant 0 : i32
    %dma_wait3A_58 = tpu.memref_slice %arg2[%dma_wait3A_57] : memref<3276800xi32, #tpu.memory_space<hbm>> -> memref<400xi32, #tpu.memory_space<hbm>>
    %dma_wait3A_59 = arith.constant 0 : i32
    %dma_wait3A_60 = tpu.memref_slice %arg2[%dma_wait3A_59] : memref<3276800xi32, #tpu.memory_space<hbm>> -> memref<400xi32, #tpu.memory_space<hbm>>
    tpu.wait_dma2 semaphore(%arg16 : memref<!tpu.dma_semaphore, #tpu.memory_space<semaphore_mem>>) src(%dma_wait3A_60 : memref<400xi32, #tpu.memory_space<hbm>>) dst(%arg7 : memref<400xi32, #tpu.memory_space<vmem>>)
    %dma_start3A_61 = arith.constant 0 : i32
    %dma_start3A_62 = arith.constant 0 : i32
    %dma_start3A_63 = tpu.memref_slice %arg5[%dma_start3A_61, %dma_start3A_62] : memref<100000x16xf32, #tpu.memory_space<vmem_shared>> -> memref<100000x16xf32, #tpu.memory_space<vmem_shared>>
    tpu.enqueue_indirect_dma source(%dma_start3A_63 : memref<100000x16xf32, #tpu.memory_space<vmem_shared>>) target(%arg11 : memref<400x16xf32, #tpu.memory_space<vmem>>) offsets(%arg7 : memref<400xi32, #tpu.memory_space<vmem>>) semaphore(%arg20 : memref<!tpu.dma_semaphore, #tpu.memory_space<semaphore_mem>>)
    %scan3A = arith.constant 0 : i32
    %scan3A_64 = arith.constant 0 : i32
    %scan3A_65 = arith.constant 64 : i32
    %scan3A_66 = arith.addi %scan3A_64, %scan3A_65 : i32
    %scan3A_67 = arith.constant 1 : i32
    scf.for %scan3A_109 = %scan3A_64 to %scan3A_66 step %scan3A_67  : i32 {
      %mul3A_110 = arith.constant 4 : i32
      %mul3A_111 = arith.muli %scan3A_109, %mul3A_110 : i32
      %add3A_112 = arith.constant 0 : i32
      %add3A_113 = arith.addi %mul3A_111, %add3A_112 : i32
      %dma_wait3A_114 = arith.constant 0 : i32
      %dma_wait3A_115 = arith.constant 0 : i32
      %dma_wait3A_116 = tpu.memref_slice %arg5[%dma_wait3A_114, %dma_wait3A_115] : memref<100000x16xf32, #tpu.memory_space<vmem_shared>> -> memref<100000x16xf32, #tpu.memory_space<vmem_shared>>
      tpu.wait_indirect_dma semaphore(%arg19 : memref<!tpu.dma_semaphore, #tpu.memory_space<semaphore_mem>>) src(%dma_wait3A_116 : memref<100000x16xf32, #tpu.memory_space<vmem_shared>>) dst(%arg10 : memref<400x16xf32, #tpu.memory_space<vmem>>)
      %mul3A_117 = arith.constant 2 : i32
      %mul3A_118 = arith.muli %add3A_113, %mul3A_117 : i32
      %add3A_119 = arith.addi %mul3A_2, %mul3A_118 : i32
      %mul3A_120 = arith.constant 200 : i32
      %mul3A_121 = arith.muli %add3A_119, %mul3A_120 : i32
      %dma_start3A_122 = arith.constant 0 : i32
      %dma_start3A_123 = tpu.memref_slice %arg4[%mul3A_121, %dma_start3A_122] : memref<3276800x16xf32, #tpu.memory_space<hbm>> -> memref<400x16xf32, #tpu.memory_space<hbm>>
      %dma_start3A_124 = arith.constant 0 : i32
      %dma_start3A_125 = tpu.memref_slice %arg4[%mul3A_121, %dma_start3A_124] : memref<3276800x16xf32, #tpu.memory_space<hbm>> -> memref<400x16xf32, #tpu.memory_space<hbm>>
      tpu.enqueue_dma source(%arg10 : memref<400x16xf32, #tpu.memory_space<vmem>>) target(%dma_start3A_125 : memref<400x16xf32, #tpu.memory_space<hbm>>) target_semaphore(%arg23 : memref<!tpu.dma_semaphore, #tpu.memory_space<semaphore_mem>>)
      %add3A_126 = arith.constant 4 : i32
      %add3A_127 = arith.addi %add3A_113, %add3A_126 : i32
      %min3A_128 = arith.constant 255 : i32
      %min3A_129 = arith.minsi %add3A_127, %min3A_128 : i32
      %mul3A_130 = arith.constant 2 : i32
      %mul3A_131 = arith.muli %min3A_129, %mul3A_130 : i32
      %add3A_132 = arith.addi %mul3A_2, %mul3A_131 : i32
      %mul3A_133 = arith.constant 200 : i32
      %mul3A_134 = arith.muli %add3A_132, %mul3A_133 : i32
      %dma_start3A_135 = tpu.memref_slice %arg2[%mul3A_134] : memref<3276800xi32, #tpu.memory_space<hbm>> -> memref<400xi32, #tpu.memory_space<hbm>>
      %dma_start3A_136 = tpu.memref_slice %arg2[%mul3A_134] : memref<3276800xi32, #tpu.memory_space<hbm>> -> memref<400xi32, #tpu.memory_space<hbm>>
      tpu.enqueue_dma source(%dma_start3A_136 : memref<400xi32, #tpu.memory_space<hbm>>) target(%arg6 : memref<400xi32, #tpu.memory_space<vmem>>) target_semaphore(%arg15 : memref<!tpu.dma_semaphore, #tpu.memory_space<semaphore_mem>>)
      %add3A_137 = arith.constant 2 : i32
      %add3A_138 = arith.addi %add3A_113, %add3A_137 : i32
      %lt3A = arith.constant 256 : i32
      %lt3A_139 = arith.cmpi slt, %add3A_138, %lt3A : i32
      %convert_element_type3A = arith.extui %lt3A_139 : i1 to i32
      %cond3A = arith.constant 0 : i32
      %cond3A_140 = arith.cmpi ne, %convert_element_type3A, %cond3A : i32
      scf.if %cond3A_140 {
        %dma_wait3A_243 = arith.constant 0 : i32
        %dma_wait3A_244 = tpu.memref_slice %arg2[%dma_wait3A_243] : memref<3276800xi32, #tpu.memory_space<hbm>> -> memref<400xi32, #tpu.memory_space<hbm>>
        %dma_wait3A_245 = arith.constant 0 : i32
        %dma_wait3A_246 = tpu.memref_slice %arg2[%dma_wait3A_245] : memref<3276800xi32, #tpu.memory_space<hbm>> -> memref<400xi32, #tpu.memory_space<hbm>>
        tpu.wait_dma2 semaphore(%arg17 : memref<!tpu.dma_semaphore, #tpu.memory_space<semaphore_mem>>) src(%dma_wait3A_246 : memref<400xi32, #tpu.memory_space<hbm>>) dst(%arg8 : memref<400xi32, #tpu.memory_space<vmem>>)
        %add3A_247 = arith.constant 2 : i32
        %add3A_248 = arith.addi %add3A_113, %add3A_247 : i32
        %ge3A = arith.constant 4 : i32
        %ge3A_249 = arith.cmpi sge, %add3A_248, %ge3A : i32
        %convert_element_type3A_250 = arith.extui %ge3A_249 : i1 to i32
        %cond3A_251 = arith.constant 0 : i32
        %cond3A_252 = arith.cmpi ne, %convert_element_type3A_250, %cond3A_251 : i32
        scf.if %cond3A_252 {
          %dma_wait3A_256 = arith.constant 0 : i32
          %dma_wait3A_257 = arith.constant 0 : i32
          %dma_wait3A_258 = tpu.memref_slice %arg4[%dma_wait3A_256, %dma_wait3A_257] : memref<3276800x16xf32, #tpu.memory_space<hbm>> -> memref<400x16xf32, #tpu.memory_space<hbm>>
          %dma_wait3A_259 = arith.constant 0 : i32
          %dma_wait3A_260 = arith.constant 0 : i32
          %dma_wait3A_261 = tpu.memref_slice %arg4[%dma_wait3A_259, %dma_wait3A_260] : memref<3276800x16xf32, #tpu.memory_space<hbm>> -> memref<400x16xf32, #tpu.memory_space<hbm>>
          tpu.wait_dma2 semaphore(%arg25 : memref<!tpu.dma_semaphore, #tpu.memory_space<semaphore_mem>>) src(%arg12 : memref<400x16xf32, #tpu.memory_space<vmem>>) dst(%dma_wait3A_261 : memref<400x16xf32, #tpu.memory_space<hbm>>)
        } else {
        }
        %dma_start3A_253 = arith.constant 0 : i32
        %dma_start3A_254 = arith.constant 0 : i32
        %dma_start3A_255 = tpu.memref_slice %arg5[%dma_start3A_253, %dma_start3A_254] : memref<100000x16xf32, #tpu.memory_space<vmem_shared>> -> memref<100000x16xf32, #tpu.memory_space<vmem_shared>>
        tpu.enqueue_indirect_dma source(%dma_start3A_255 : memref<100000x16xf32, #tpu.memory_space<vmem_shared>>) target(%arg12 : memref<400x16xf32, #tpu.memory_space<vmem>>) offsets(%arg8 : memref<400xi32, #tpu.memory_space<vmem>>) semaphore(%arg21 : memref<!tpu.dma_semaphore, #tpu.memory_space<semaphore_mem>>)
      } else {
      }
      %mul3A_141 = arith.constant 4 : i32
      %mul3A_142 = arith.muli %scan3A_109, %mul3A_141 : i32
      %add3A_143 = arith.constant 1 : i32
      %add3A_144 = arith.addi %mul3A_142, %add3A_143 : i32
      %dma_wait3A_145 = arith.constant 0 : i32
      %dma_wait3A_146 = arith.constant 0 : i32
      %dma_wait3A_147 = tpu.memref_slice %arg5[%dma_wait3A_145, %dma_wait3A_146] : memref<100000x16xf32, #tpu.memory_space<vmem_shared>> -> memref<100000x16xf32, #tpu.memory_space<vmem_shared>>
      tpu.wait_indirect_dma semaphore(%arg20 : memref<!tpu.dma_semaphore, #tpu.memory_space<semaphore_mem>>) src(%dma_wait3A_147 : memref<100000x16xf32, #tpu.memory_space<vmem_shared>>) dst(%arg11 : memref<400x16xf32, #tpu.memory_space<vmem>>)
      %mul3A_148 = arith.constant 2 : i32
      %mul3A_149 = arith.muli %add3A_144, %mul3A_148 : i32
      %add3A_150 = arith.addi %mul3A_2, %mul3A_149 : i32
      %mul3A_151 = arith.constant 200 : i32
      %mul3A_152 = arith.muli %add3A_150, %mul3A_151 : i32
      %dma_start3A_153 = arith.constant 0 : i32
      %dma_start3A_154 = tpu.memref_slice %arg4[%mul3A_152, %dma_start3A_153] : memref<3276800x16xf32, #tpu.memory_space<hbm>> -> memref<400x16xf32, #tpu.memory_space<hbm>>
      %dma_start3A_155 = arith.constant 0 : i32
      %dma_start3A_156 = tpu.memref_slice %arg4[%mul3A_152, %dma_start3A_155] : memref<3276800x16xf32, #tpu.memory_space<hbm>> -> memref<400x16xf32, #tpu.memory_space<hbm>>
      tpu.enqueue_dma source(%arg11 : memref<400x16xf32, #tpu.memory_space<vmem>>) target(%dma_start3A_156 : memref<400x16xf32, #tpu.memory_space<hbm>>) target_semaphore(%arg24 : memref<!tpu.dma_semaphore, #tpu.memory_space<semaphore_mem>>)
      %add3A_157 = arith.constant 4 : i32
      %add3A_158 = arith.addi %add3A_144, %add3A_157 : i32
      %min3A_159 = arith.constant 255 : i32
      %min3A_160 = arith.minsi %add3A_158, %min3A_159 : i32
      %mul3A_161 = arith.constant 2 : i32
      %mul3A_162 = arith.muli %min3A_160, %mul3A_161 : i32
      %add3A_163 = arith.addi %mul3A_2, %mul3A_162 : i32
      %mul3A_164 = arith.constant 200 : i32
      %mul3A_165 = arith.muli %add3A_163, %mul3A_164 : i32
      %dma_start3A_166 = tpu.memref_slice %arg2[%mul3A_165] : memref<3276800xi32, #tpu.memory_space<hbm>> -> memref<400xi32, #tpu.memory_space<hbm>>
      %dma_start3A_167 = tpu.memref_slice %arg2[%mul3A_165] : memref<3276800xi32, #tpu.memory_space<hbm>> -> memref<400xi32, #tpu.memory_space<hbm>>
      tpu.enqueue_dma source(%dma_start3A_167 : memref<400xi32, #tpu.memory_space<hbm>>) target(%arg7 : memref<400xi32, #tpu.memory_space<vmem>>) target_semaphore(%arg16 : memref<!tpu.dma_semaphore, #tpu.memory_space<semaphore_mem>>)
      %add3A_168 = arith.constant 2 : i32
      %add3A_169 = arith.addi %add3A_144, %add3A_168 : i32
      %lt3A_170 = arith.constant 256 : i32
      %lt3A_171 = arith.cmpi slt, %add3A_169, %lt3A_170 : i32
      %convert_element_type3A_172 = arith.extui %lt3A_171 : i1 to i32
      %cond3A_173 = arith.constant 0 : i32
      %cond3A_174 = arith.cmpi ne, %convert_element_type3A_172, %cond3A_173 : i32
      scf.if %cond3A_174 {
        %dma_wait3A_243 = arith.constant 0 : i32
        %dma_wait3A_244 = tpu.memref_slice %arg2[%dma_wait3A_243] : memref<3276800xi32, #tpu.memory_space<hbm>> -> memref<400xi32, #tpu.memory_space<hbm>>
        %dma_wait3A_245 = arith.constant 0 : i32
        %dma_wait3A_246 = tpu.memref_slice %arg2[%dma_wait3A_245] : memref<3276800xi32, #tpu.memory_space<hbm>> -> memref<400xi32, #tpu.memory_space<hbm>>
        tpu.wait_dma2 semaphore(%arg18 : memref<!tpu.dma_semaphore, #tpu.memory_space<semaphore_mem>>) src(%dma_wait3A_246 : memref<400xi32, #tpu.memory_space<hbm>>) dst(%arg9 : memref<400xi32, #tpu.memory_space<vmem>>)
        %add3A_247 = arith.constant 2 : i32
        %add3A_248 = arith.addi %add3A_144, %add3A_247 : i32
        %ge3A = arith.constant 4 : i32
        %ge3A_249 = arith.cmpi sge, %add3A_248, %ge3A : i32
        %convert_element_type3A_250 = arith.extui %ge3A_249 : i1 to i32
        %cond3A_251 = arith.constant 0 : i32
        %cond3A_252 = arith.cmpi ne, %convert_element_type3A_250, %cond3A_251 : i32
        scf.if %cond3A_252 {
          %dma_wait3A_256 = arith.constant 0 : i32
          %dma_wait3A_257 = arith.constant 0 : i32
          %dma_wait3A_258 = tpu.memref_slice %arg4[%dma_wait3A_256, %dma_wait3A_257] : memref<3276800x16xf32, #tpu.memory_space<hbm>> -> memref<400x16xf32, #tpu.memory_space<hbm>>
          %dma_wait3A_259 = arith.constant 0 : i32
          %dma_wait3A_260 = arith.constant 0 : i32
          %dma_wait3A_261 = tpu.memref_slice %arg4[%dma_wait3A_259, %dma_wait3A_260] : memref<3276800x16xf32, #tpu.memory_space<hbm>> -> memref<400x16xf32, #tpu.memory_space<hbm>>
          tpu.wait_dma2 semaphore(%arg26 : memref<!tpu.dma_semaphore, #tpu.memory_space<semaphore_mem>>) src(%arg13 : memref<400x16xf32, #tpu.memory_space<vmem>>) dst(%dma_wait3A_261 : memref<400x16xf32, #tpu.memory_space<hbm>>)
        } else {
        }
        %dma_start3A_253 = arith.constant 0 : i32
        %dma_start3A_254 = arith.constant 0 : i32
        %dma_start3A_255 = tpu.memref_slice %arg5[%dma_start3A_253, %dma_start3A_254] : memref<100000x16xf32, #tpu.memory_space<vmem_shared>> -> memref<100000x16xf32, #tpu.memory_space<vmem_shared>>
        tpu.enqueue_indirect_dma source(%dma_start3A_255 : memref<100000x16xf32, #tpu.memory_space<vmem_shared>>) target(%arg13 : memref<400x16xf32, #tpu.memory_space<vmem>>) offsets(%arg9 : memref<400xi32, #tpu.memory_space<vmem>>) semaphore(%arg22 : memref<!tpu.dma_semaphore, #tpu.memory_space<semaphore_mem>>)
      } else {
      }
      %mul3A_175 = arith.constant 4 : i32
      %mul3A_176 = arith.muli %scan3A_109, %mul3A_175 : i32
      %add3A_177 = arith.constant 2 : i32
      %add3A_178 = arith.addi %mul3A_176, %add3A_177 : i32
      %dma_wait3A_179 = arith.constant 0 : i32
      %dma_wait3A_180 = arith.constant 0 : i32
      %dma_wait3A_181 = tpu.memref_slice %arg5[%dma_wait3A_179, %dma_wait3A_180] : memref<100000x16xf32, #tpu.memory_space<vmem_shared>> -> memref<100000x16xf32, #tpu.memory_space<vmem_shared>>
      tpu.wait_indirect_dma semaphore(%arg21 : memref<!tpu.dma_semaphore, #tpu.memory_space<semaphore_mem>>) src(%dma_wait3A_181 : memref<100000x16xf32, #tpu.memory_space<vmem_shared>>) dst(%arg12 : memref<400x16xf32, #tpu.memory_space<vmem>>)
      %mul3A_182 = arith.constant 2 : i32
      %mul3A_183 = arith.muli %add3A_178, %mul3A_182 : i32
      %add3A_184 = arith.addi %mul3A_2, %mul3A_183 : i32
      %mul3A_185 = arith.constant 200 : i32
      %mul3A_186 = arith.muli %add3A_184, %mul3A_185 : i32
      %dma_start3A_187 = arith.constant 0 : i32
      %dma_start3A_188 = tpu.memref_slice %arg4[%mul3A_186, %dma_start3A_187] : memref<3276800x16xf32, #tpu.memory_space<hbm>> -> memref<400x16xf32, #tpu.memory_space<hbm>>
      %dma_start3A_189 = arith.constant 0 : i32
      %dma_start3A_190 = tpu.memref_slice %arg4[%mul3A_186, %dma_start3A_189] : memref<3276800x16xf32, #tpu.memory_space<hbm>> -> memref<400x16xf32, #tpu.memory_space<hbm>>
      tpu.enqueue_dma source(%arg12 : memref<400x16xf32, #tpu.memory_space<vmem>>) target(%dma_start3A_190 : memref<400x16xf32, #tpu.memory_space<hbm>>) target_semaphore(%arg25 : memref<!tpu.dma_semaphore, #tpu.memory_space<semaphore_mem>>)
      %add3A_191 = arith.constant 4 : i32
      %add3A_192 = arith.addi %add3A_178, %add3A_191 : i32
      %min3A_193 = arith.constant 255 : i32
      %min3A_194 = arith.minsi %add3A_192, %min3A_193 : i32
      %mul3A_195 = arith.constant 2 : i32
      %mul3A_196 = arith.muli %min3A_194, %mul3A_195 : i32
      %add3A_197 = arith.addi %mul3A_2, %mul3A_196 : i32
      %mul3A_198 = arith.constant 200 : i32
      %mul3A_199 = arith.muli %add3A_197, %mul3A_198 : i32
      %dma_start3A_200 = tpu.memref_slice %arg2[%mul3A_199] : memref<3276800xi32, #tpu.memory_space<hbm>> -> memref<400xi32, #tpu.memory_space<hbm>>
      %dma_start3A_201 = tpu.memref_slice %arg2[%mul3A_199] : memref<3276800xi32, #tpu.memory_space<hbm>> -> memref<400xi32, #tpu.memory_space<hbm>>
      tpu.enqueue_dma source(%dma_start3A_201 : memref<400xi32, #tpu.memory_space<hbm>>) target(%arg8 : memref<400xi32, #tpu.memory_space<vmem>>) target_semaphore(%arg17 : memref<!tpu.dma_semaphore, #tpu.memory_space<semaphore_mem>>)
      %add3A_202 = arith.constant 2 : i32
      %add3A_203 = arith.addi %add3A_178, %add3A_202 : i32
      %lt3A_204 = arith.constant 256 : i32
      %lt3A_205 = arith.cmpi slt, %add3A_203, %lt3A_204 : i32
      %convert_element_type3A_206 = arith.extui %lt3A_205 : i1 to i32
      %cond3A_207 = arith.constant 0 : i32
      %cond3A_208 = arith.cmpi ne, %convert_element_type3A_206, %cond3A_207 : i32
      scf.if %cond3A_208 {
        %dma_wait3A_243 = arith.constant 0 : i32
        %dma_wait3A_244 = tpu.memref_slice %arg2[%dma_wait3A_243] : memref<3276800xi32, #tpu.memory_space<hbm>> -> memref<400xi32, #tpu.memory_space<hbm>>
        %dma_wait3A_245 = arith.constant 0 : i32
        %dma_wait3A_246 = tpu.memref_slice %arg2[%dma_wait3A_245] : memref<3276800xi32, #tpu.memory_space<hbm>> -> memref<400xi32, #tpu.memory_space<hbm>>
        tpu.wait_dma2 semaphore(%arg15 : memref<!tpu.dma_semaphore, #tpu.memory_space<semaphore_mem>>) src(%dma_wait3A_246 : memref<400xi32, #tpu.memory_space<hbm>>) dst(%arg6 : memref<400xi32, #tpu.memory_space<vmem>>)
        %add3A_247 = arith.constant 2 : i32
        %add3A_248 = arith.addi %add3A_178, %add3A_247 : i32
        %ge3A = arith.constant 4 : i32
        %ge3A_249 = arith.cmpi sge, %add3A_248, %ge3A : i32
        %convert_element_type3A_250 = arith.extui %ge3A_249 : i1 to i32
        %cond3A_251 = arith.constant 0 : i32
        %cond3A_252 = arith.cmpi ne, %convert_element_type3A_250, %cond3A_251 : i32
        scf.if %cond3A_252 {
          %dma_wait3A_256 = arith.constant 0 : i32
          %dma_wait3A_257 = arith.constant 0 : i32
          %dma_wait3A_258 = tpu.memref_slice %arg4[%dma_wait3A_256, %dma_wait3A_257] : memref<3276800x16xf32, #tpu.memory_space<hbm>> -> memref<400x16xf32, #tpu.memory_space<hbm>>
          %dma_wait3A_259 = arith.constant 0 : i32
          %dma_wait3A_260 = arith.constant 0 : i32
          %dma_wait3A_261 = tpu.memref_slice %arg4[%dma_wait3A_259, %dma_wait3A_260] : memref<3276800x16xf32, #tpu.memory_space<hbm>> -> memref<400x16xf32, #tpu.memory_space<hbm>>
          tpu.wait_dma2 semaphore(%arg23 : memref<!tpu.dma_semaphore, #tpu.memory_space<semaphore_mem>>) src(%arg10 : memref<400x16xf32, #tpu.memory_space<vmem>>) dst(%dma_wait3A_261 : memref<400x16xf32, #tpu.memory_space<hbm>>)
        } else {
        }
        %dma_start3A_253 = arith.constant 0 : i32
        %dma_start3A_254 = arith.constant 0 : i32
        %dma_start3A_255 = tpu.memref_slice %arg5[%dma_start3A_253, %dma_start3A_254] : memref<100000x16xf32, #tpu.memory_space<vmem_shared>> -> memref<100000x16xf32, #tpu.memory_space<vmem_shared>>
        tpu.enqueue_indirect_dma source(%dma_start3A_255 : memref<100000x16xf32, #tpu.memory_space<vmem_shared>>) target(%arg10 : memref<400x16xf32, #tpu.memory_space<vmem>>) offsets(%arg6 : memref<400xi32, #tpu.memory_space<vmem>>) semaphore(%arg19 : memref<!tpu.dma_semaphore, #tpu.memory_space<semaphore_mem>>)
      } else {
      }
      %mul3A_209 = arith.constant 4 : i32
      %mul3A_210 = arith.muli %scan3A_109, %mul3A_209 : i32
      %add3A_211 = arith.constant 3 : i32
      %add3A_212 = arith.addi %mul3A_210, %add3A_211 : i32
      %dma_wait3A_213 = arith.constant 0 : i32
      %dma_wait3A_214 = arith.constant 0 : i32
      %dma_wait3A_215 = tpu.memref_slice %arg5[%dma_wait3A_213, %dma_wait3A_214] : memref<100000x16xf32, #tpu.memory_space<vmem_shared>> -> memref<100000x16xf32, #tpu.memory_space<vmem_shared>>
      tpu.wait_indirect_dma semaphore(%arg22 : memref<!tpu.dma_semaphore, #tpu.memory_space<semaphore_mem>>) src(%dma_wait3A_215 : memref<100000x16xf32, #tpu.memory_space<vmem_shared>>) dst(%arg13 : memref<400x16xf32, #tpu.memory_space<vmem>>)
      %mul3A_216 = arith.constant 2 : i32
      %mul3A_217 = arith.muli %add3A_212, %mul3A_216 : i32
      %add3A_218 = arith.addi %mul3A_2, %mul3A_217 : i32
      %mul3A_219 = arith.constant 200 : i32
      %mul3A_220 = arith.muli %add3A_218, %mul3A_219 : i32
      %dma_start3A_221 = arith.constant 0 : i32
      %dma_start3A_222 = tpu.memref_slice %arg4[%mul3A_220, %dma_start3A_221] : memref<3276800x16xf32, #tpu.memory_space<hbm>> -> memref<400x16xf32, #tpu.memory_space<hbm>>
      %dma_start3A_223 = arith.constant 0 : i32
      %dma_start3A_224 = tpu.memref_slice %arg4[%mul3A_220, %dma_start3A_223] : memref<3276800x16xf32, #tpu.memory_space<hbm>> -> memref<400x16xf32, #tpu.memory_space<hbm>>
      tpu.enqueue_dma source(%arg13 : memref<400x16xf32, #tpu.memory_space<vmem>>) target(%dma_start3A_224 : memref<400x16xf32, #tpu.memory_space<hbm>>) target_semaphore(%arg26 : memref<!tpu.dma_semaphore, #tpu.memory_space<semaphore_mem>>)
      %add3A_225 = arith.constant 4 : i32
      %add3A_226 = arith.addi %add3A_212, %add3A_225 : i32
      %min3A_227 = arith.constant 255 : i32
      %min3A_228 = arith.minsi %add3A_226, %min3A_227 : i32
      %mul3A_229 = arith.constant 2 : i32
      %mul3A_230 = arith.muli %min3A_228, %mul3A_229 : i32
      %add3A_231 = arith.addi %mul3A_2, %mul3A_230 : i32
      %mul3A_232 = arith.constant 200 : i32
      %mul3A_233 = arith.muli %add3A_231, %mul3A_232 : i32
      %dma_start3A_234 = tpu.memref_slice %arg2[%mul3A_233] : memref<3276800xi32, #tpu.memory_space<hbm>> -> memref<400xi32, #tpu.memory_space<hbm>>
      %dma_start3A_235 = tpu.memref_slice %arg2[%mul3A_233] : memref<3276800xi32, #tpu.memory_space<hbm>> -> memref<400xi32, #tpu.memory_space<hbm>>
      tpu.enqueue_dma source(%dma_start3A_235 : memref<400xi32, #tpu.memory_space<hbm>>) target(%arg9 : memref<400xi32, #tpu.memory_space<vmem>>) target_semaphore(%arg18 : memref<!tpu.dma_semaphore, #tpu.memory_space<semaphore_mem>>)
      %add3A_236 = arith.constant 2 : i32
      %add3A_237 = arith.addi %add3A_212, %add3A_236 : i32
      %lt3A_238 = arith.constant 256 : i32
      %lt3A_239 = arith.cmpi slt, %add3A_237, %lt3A_238 : i32
      %convert_element_type3A_240 = arith.extui %lt3A_239 : i1 to i32
      %cond3A_241 = arith.constant 0 : i32
      %cond3A_242 = arith.cmpi ne, %convert_element_type3A_240, %cond3A_241 : i32
      scf.if %cond3A_242 {
        %dma_wait3A_243 = arith.constant 0 : i32
        %dma_wait3A_244 = tpu.memref_slice %arg2[%dma_wait3A_243] : memref<3276800xi32, #tpu.memory_space<hbm>> -> memref<400xi32, #tpu.memory_space<hbm>>
        %dma_wait3A_245 = arith.constant 0 : i32
        %dma_wait3A_246 = tpu.memref_slice %arg2[%dma_wait3A_245] : memref<3276800xi32, #tpu.memory_space<hbm>> -> memref<400xi32, #tpu.memory_space<hbm>>
        tpu.wait_dma2 semaphore(%arg16 : memref<!tpu.dma_semaphore, #tpu.memory_space<semaphore_mem>>) src(%dma_wait3A_246 : memref<400xi32, #tpu.memory_space<hbm>>) dst(%arg7 : memref<400xi32, #tpu.memory_space<vmem>>)
        %add3A_247 = arith.constant 2 : i32
        %add3A_248 = arith.addi %add3A_212, %add3A_247 : i32
        %ge3A = arith.constant 4 : i32
        %ge3A_249 = arith.cmpi sge, %add3A_248, %ge3A : i32
        %convert_element_type3A_250 = arith.extui %ge3A_249 : i1 to i32
        %cond3A_251 = arith.constant 0 : i32
        %cond3A_252 = arith.cmpi ne, %convert_element_type3A_250, %cond3A_251 : i32
        scf.if %cond3A_252 {
          %dma_wait3A_256 = arith.constant 0 : i32
          %dma_wait3A_257 = arith.constant 0 : i32
          %dma_wait3A_258 = tpu.memref_slice %arg4[%dma_wait3A_256, %dma_wait3A_257] : memref<3276800x16xf32, #tpu.memory_space<hbm>> -> memref<400x16xf32, #tpu.memory_space<hbm>>
          %dma_wait3A_259 = arith.constant 0 : i32
          %dma_wait3A_260 = arith.constant 0 : i32
          %dma_wait3A_261 = tpu.memref_slice %arg4[%dma_wait3A_259, %dma_wait3A_260] : memref<3276800x16xf32, #tpu.memory_space<hbm>> -> memref<400x16xf32, #tpu.memory_space<hbm>>
          tpu.wait_dma2 semaphore(%arg24 : memref<!tpu.dma_semaphore, #tpu.memory_space<semaphore_mem>>) src(%arg11 : memref<400x16xf32, #tpu.memory_space<vmem>>) dst(%dma_wait3A_261 : memref<400x16xf32, #tpu.memory_space<hbm>>)
        } else {
        }
        %dma_start3A_253 = arith.constant 0 : i32
        %dma_start3A_254 = arith.constant 0 : i32
        %dma_start3A_255 = tpu.memref_slice %arg5[%dma_start3A_253, %dma_start3A_254] : memref<100000x16xf32, #tpu.memory_space<vmem_shared>> -> memref<100000x16xf32, #tpu.memory_space<vmem_shared>>
        tpu.enqueue_indirect_dma source(%dma_start3A_255 : memref<100000x16xf32, #tpu.memory_space<vmem_shared>>) target(%arg11 : memref<400x16xf32, #tpu.memory_space<vmem>>) offsets(%arg7 : memref<400xi32, #tpu.memory_space<vmem>>) semaphore(%arg20 : memref<!tpu.dma_semaphore, #tpu.memory_space<semaphore_mem>>)
      } else {
      }
    }
    %scan3A_68 = arith.constant 64 : i32
    %dma_wait3A_69 = arith.constant 0 : i32
    %dma_wait3A_70 = tpu.memref_slice %arg2[%dma_wait3A_69] : memref<3276800xi32, #tpu.memory_space<hbm>> -> memref<400xi32, #tpu.memory_space<hbm>>
    %dma_wait3A_71 = arith.constant 0 : i32
    %dma_wait3A_72 = tpu.memref_slice %arg2[%dma_wait3A_71] : memref<3276800xi32, #tpu.memory_space<hbm>> -> memref<400xi32, #tpu.memory_space<hbm>>
    tpu.wait_dma2 semaphore(%arg15 : memref<!tpu.dma_semaphore, #tpu.memory_space<semaphore_mem>>) src(%dma_wait3A_72 : memref<400xi32, #tpu.memory_space<hbm>>) dst(%arg6 : memref<400xi32, #tpu.memory_space<vmem>>)
    %dma_wait3A_73 = arith.constant 0 : i32
    %dma_wait3A_74 = arith.constant 0 : i32
    %dma_wait3A_75 = tpu.memref_slice %arg4[%dma_wait3A_73, %dma_wait3A_74] : memref<3276800x16xf32, #tpu.memory_space<hbm>> -> memref<400x16xf32, #tpu.memory_space<hbm>>
    %dma_wait3A_76 = arith.constant 0 : i32
    %dma_wait3A_77 = arith.constant 0 : i32
    %dma_wait3A_78 = tpu.memref_slice %arg4[%dma_wait3A_76, %dma_wait3A_77] : memref<3276800x16xf32, #tpu.memory_space<hbm>> -> memref<400x16xf32, #tpu.memory_space<hbm>>
    tpu.wait_dma2 semaphore(%arg23 : memref<!tpu.dma_semaphore, #tpu.memory_space<semaphore_mem>>) src(%arg10 : memref<400x16xf32, #tpu.memory_space<vmem>>) dst(%dma_wait3A_78 : memref<400x16xf32, #tpu.memory_space<hbm>>)
    %dma_wait3A_79 = arith.constant 0 : i32
    %dma_wait3A_80 = tpu.memref_slice %arg2[%dma_wait3A_79] : memref<3276800xi32, #tpu.memory_space<hbm>> -> memref<400xi32, #tpu.memory_space<hbm>>
    %dma_wait3A_81 = arith.constant 0 : i32
    %dma_wait3A_82 = tpu.memref_slice %arg2[%dma_wait3A_81] : memref<3276800xi32, #tpu.memory_space<hbm>> -> memref<400xi32, #tpu.memory_space<hbm>>
    tpu.wait_dma2 semaphore(%arg16 : memref<!tpu.dma_semaphore, #tpu.memory_space<semaphore_mem>>) src(%dma_wait3A_82 : memref<400xi32, #tpu.memory_space<hbm>>) dst(%arg7 : memref<400xi32, #tpu.memory_space<vmem>>)
    %dma_wait3A_83 = arith.constant 0 : i32
    %dma_wait3A_84 = arith.constant 0 : i32
    %dma_wait3A_85 = tpu.memref_slice %arg4[%dma_wait3A_83, %dma_wait3A_84] : memref<3276800x16xf32, #tpu.memory_space<hbm>> -> memref<400x16xf32, #tpu.memory_space<hbm>>
    %dma_wait3A_86 = arith.constant 0 : i32
    %dma_wait3A_87 = arith.constant 0 : i32
    %dma_wait3A_88 = tpu.memref_slice %arg4[%dma_wait3A_86, %dma_wait3A_87] : memref<3276800x16xf32, #tpu.memory_space<hbm>> -> memref<400x16xf32, #tpu.memory_space<hbm>>
    tpu.wait_dma2 semaphore(%arg24 : memref<!tpu.dma_semaphore, #tpu.memory_space<semaphore_mem>>) src(%arg11 : memref<400x16xf32, #tpu.memory_space<vmem>>) dst(%dma_wait3A_88 : memref<400x16xf32, #tpu.memory_space<hbm>>)
    %dma_wait3A_89 = arith.constant 0 : i32
    %dma_wait3A_90 = tpu.memref_slice %arg2[%dma_wait3A_89] : memref<3276800xi32, #tpu.memory_space<hbm>> -> memref<400xi32, #tpu.memory_space<hbm>>
    %dma_wait3A_91 = arith.constant 0 : i32
    %dma_wait3A_92 = tpu.memref_slice %arg2[%dma_wait3A_91] : memref<3276800xi32, #tpu.memory_space<hbm>> -> memref<400xi32, #tpu.memory_space<hbm>>
    tpu.wait_dma2 semaphore(%arg17 : memref<!tpu.dma_semaphore, #tpu.memory_space<semaphore_mem>>) src(%dma_wait3A_92 : memref<400xi32, #tpu.memory_space<hbm>>) dst(%arg8 : memref<400xi32, #tpu.memory_space<vmem>>)
    %dma_wait3A_93 = arith.constant 0 : i32
    %dma_wait3A_94 = arith.constant 0 : i32
    %dma_wait3A_95 = tpu.memref_slice %arg4[%dma_wait3A_93, %dma_wait3A_94] : memref<3276800x16xf32, #tpu.memory_space<hbm>> -> memref<400x16xf32, #tpu.memory_space<hbm>>
    %dma_wait3A_96 = arith.constant 0 : i32
    %dma_wait3A_97 = arith.constant 0 : i32
    %dma_wait3A_98 = tpu.memref_slice %arg4[%dma_wait3A_96, %dma_wait3A_97] : memref<3276800x16xf32, #tpu.memory_space<hbm>> -> memref<400x16xf32, #tpu.memory_space<hbm>>
    tpu.wait_dma2 semaphore(%arg25 : memref<!tpu.dma_semaphore, #tpu.memory_space<semaphore_mem>>) src(%arg12 : memref<400x16xf32, #tpu.memory_space<vmem>>) dst(%dma_wait3A_98 : memref<400x16xf32, #tpu.memory_space<hbm>>)
    %dma_wait3A_99 = arith.constant 0 : i32
    %dma_wait3A_100 = tpu.memref_slice %arg2[%dma_wait3A_99] : memref<3276800xi32, #tpu.memory_space<hbm>> -> memref<400xi32, #tpu.memory_space<hbm>>
    %dma_wait3A_101 = arith.constant 0 : i32
    %dma_wait3A_102 = tpu.memref_slice %arg2[%dma_wait3A_101] : memref<3276800xi32, #tpu.memory_space<hbm>> -> memref<400xi32, #tpu.memory_space<hbm>>
    tpu.wait_dma2 semaphore(%arg18 : memref<!tpu.dma_semaphore, #tpu.memory_space<semaphore_mem>>) src(%dma_wait3A_102 : memref<400xi32, #tpu.memory_space<hbm>>) dst(%arg9 : memref<400xi32, #tpu.memory_space<vmem>>)
    %dma_wait3A_103 = arith.constant 0 : i32
    %dma_wait3A_104 = arith.constant 0 : i32
    %dma_wait3A_105 = tpu.memref_slice %arg4[%dma_wait3A_103, %dma_wait3A_104] : memref<3276800x16xf32, #tpu.memory_space<hbm>> -> memref<400x16xf32, #tpu.memory_space<hbm>>
    %dma_wait3A_106 = arith.constant 0 : i32
    %dma_wait3A_107 = arith.constant 0 : i32
    %dma_wait3A_108 = tpu.memref_slice %arg4[%dma_wait3A_106, %dma_wait3A_107] : memref<3276800x16xf32, #tpu.memory_space<hbm>> -> memref<400x16xf32, #tpu.memory_space<hbm>>
    tpu.wait_dma2 semaphore(%arg26 : memref<!tpu.dma_semaphore, #tpu.memory_space<semaphore_mem>>) src(%arg13 : memref<400x16xf32, #tpu.memory_space<vmem>>) dst(%dma_wait3A_108 : memref<400x16xf32, #tpu.memory_space<hbm>>)
    return
  }
}

</mosaic_0001>

<sc_bundles>
// kernel: _embed.3.cloned.1.call-start
scs
__scs_entry_jumppad:
0x0: {  	(pc) =	sbr.rel $0x88, $3  }
0x1: {  	(tag) =	ssettag $0x0;
	lr =	simm.s32 $0x1  }
0x2: {  	[smem:$0x3F9F] =	sst lr;
	_ =	strace $0xD0000000  }
0x3: {  	_ = 	snop  }
0x4: {  	_ = 	snop  }
0x5: {  	_ = 	snop  }
0x6: {  	_ = 	snop  }
0x7: {  	_ = 	snop  }
__scs_overlays_trampoline_lowered:
0x8: {  	[smem:$0x3FAE] =	sst s0  }
0x9: {  	[smem:$0x3FAF] =	sst s1  }
0xa: {  	[smem:$0x3FB0] =	sst s2  }
0xb: {  	[smem:$0x3FB1] =	sst s3  }
0xc: {  	[smem:$0x3FB2] =	sst s4  }
0xd: {  	[smem:$0x3FB3] =	sst s5  }
0xe: {  	[smem:$0x3FB4] =	sst s6  }
0xf: {  	[smem:$0x3FB5] =	sst s7  }
0x10: {  	[smem:$0x3FB6] =	sst s8  }
0x11: {  	[smem:$0x3FB7] =	sst s9;
	s0 =	simm.s32 @!p0 $0x0  }
0x12: {  	s1 =	sld [smem:$0x3F9D];
	s0 =	simm.s32 @p0 $0x1  }
0x13: {  	[smem:$0x3FB8] =	sst s0;
	s0 =	simm.s32 @!p1 $0x0  }
0x14: {  	s2 =	sld [smem:$0x3F9C];
	s0 =	simm.s32 @p1 $0x1  }
0x15: {  	[smem:$0x3FB9] =	sst s0;
	s0 =	simm.s32 @!p2 $0x0  }
0x16: {  	s3 =	sld [smem:$0x3FDB];
	s0 =	simm.s32 @p2 $0x1  }
0x17: {  	s4 =	simm.s32 $0x1BF5;
	[smem:$0x3FBB] =	sst s0  }
0x18: {  	s0 =	sld [smem:$0x3F9E];
	_ =	swait.ge [sflag:s4], $0x0  }
0x19: {  	s7 =	sld [smem:$0x3F9F]  }
0x1a: {  	s8 =	sadd.s32 $0xFFFFE003, lr  }
0x1b: {  	s9 =	sadd.s32 $0xFFFFFEF7, lr;
	s5 =	simm.s32 $0xFFFFFFFF;
	p2 =	slt.u32 s8, $0xFFFFF086  }
0x1c: {  	p1 =	slt.u32 s9, $0xF7A;
	s5 =	simm.s32 @!p2 $0x0  }
0x1d: {  	s5 =	simm.s32 @p1 $0x1;
	p0 =	seq.s32 s7, s2  }
0x1e: {  	s7 =	smul.u32 @!p0 $0xF7A, s2;
	p2 =	seq.s32 @!p0 s5, $0x0  }
0x1f: {  	s9 =	smul.u32 $0xF7A, s1;
	s8 =	simm.s32 @!p0 $0x1BF5;
	p2 =	por !p2, p0  }
0x20: {  	[sflag:s8] =	ssyncset.s32 @!p0 $0xFFFFF086;
	s6 =	sadd.s32 @!p0 s3, s7;
	s7 =	simm.s32 @!p0 $0x108  }
0x21: {  	s3 =	sadd.s32 s3, s9;
	s6 =	sadd.s32 @!p0 $0x88, s6;
	s7 =	simm.s32 @p2 $0x1082  }
0x22: {  	[simem:s7], [sflag:s8] =	dma.local @!p0 [hbm:s6], $0xF7A  }
0x23: {  	s9 =	sor.u32 $0xD0000000, s2;
	s6 =	simm.s32 $0x108;
	_ =	swait.ge @!p0 [sflag:s8], $0x0  }
0x24: {  	s3 =	sadd.s32 $0x88, s3;
	s6 =	simm.s32 @!p1 $0x1082;
	[sflag:s4] =	ssyncset.s32 $0xFFFFF086  }
0x25: {  	[simem:s6], [sflag:s4] =	dma.local [hbm:s3], $0xF7A  }
0x26: {  	[smem:$0x3F9F] =	sst s1;
	(tag) =	ssettag s2;
	_ =	strace s9  }
0x27: {  	s1 =	sld [smem:$0x3FAF]  }
0x28: {  	s2 =	sld [smem:$0x3FB0]  }
0x29: {  	s4 =	sld [smem:$0x3FB2]  }
0x2a: {  	p0 =	seq.s32 s5, $0x0;
	s5 =	sld [smem:$0x3FB3]  }
0x2b: {  	s6 =	sld [smem:$0x3FB4]  }
0x2c: {  	s7 =	sld [smem:$0x3FB5]  }
0x2d: {  	s3 =	simm.s32 $0x108;
	s8 =	sld [smem:$0x3FB6]  }
0x2e: {  	s3 =	simm.s32 @!p0 $0x1082;
	s9 =	sld [smem:$0x3FB7]  }
0x2f: {  	lr =	sadd.s32 s0, s3;
	s0 =	sld [smem:$0x3FAE]  }
0x30: {  	s3 =	sld [smem:$0x3FB1]  }
0x31: {  	[smem:$0x3FBA] =	sst s10  }
0x32: {  	s10 =	sld [smem:$0x3FB8];
	_ =	sdelay $0x3  }
0x33: {  	p0 =	seq.s32 s10, $0x1;
	s10 =	sld [smem:$0x3FBA];
	_ =	sdelay $0x3  }
0x34: {  	[smem:$0x3FBA] =	sst s10  }
0x35: {  	s10 =	sld [smem:$0x3FB9];
	_ =	sdelay $0x3  }
0x36: {  	p1 =	seq.s32 s10, $0x1;
	s10 =	sld [smem:$0x3FBA];
	_ =	sdelay $0x3  }
0x37: {  	[smem:$0x3FBA] =	sst s10  }
0x38: {  	s10 =	sld [smem:$0x3FBB]  }
0x39: {  	_ = 	snop;
	(pc) =	sbr.ind lr, $3  }
0x3a: {  	_ = 	snop  }
0x3b: {  	_ = 	snop  }
0x3c: {  	p2 =	seq.s32 s10, $0x1;
	s10 =	sld [smem:$0x3FBA]  }
0x3d: {  	_ =	shalt  }
0x3e: {  	_ =	shalt  }
0x3f: {  	_ =	shalt  }
0x40: {  	_ =	shalt  }
0x41: {  	_ =	shalt  }
0x42: {  	_ =	shalt  }
0x43: {  	_ =	shalt  }
0x44: {  	_ =	shalt  }
0x45: {  	_ =	shalt  }
0x46: {  	_ =	shalt  }
0x47: {  	_ =	shalt  }
0x48: {  	_ =	shalt  }
0x49: {  	_ =	shalt  }
0x4a: {  	_ =	shalt  }
0x4b: {  	_ =	shalt  }
0x4c: {  	_ =	shalt  }
0x4d: {  	_ =	shalt  }
0x4e: {  	_ =	shalt  }
0x4f: {  	_ =	shalt  }
0x50: {  	_ =	shalt  }
0x51: {  	_ =	shalt  }
0x52: {  	_ =	shalt  }
0x53: {  	_ =	shalt  }
0x54: {  	_ =	shalt  }
0x55: {  	_ =	shalt  }
0x56: {  	_ =	shalt  }
0x57: {  	_ =	shalt  }
0x58: {  	_ =	shalt  }
0x59: {  	_ =	shalt  }
0x5a: {  	_ =	shalt  }
0x5b: {  	_ =	shalt  }
0x5c: {  	_ =	shalt  }
0x5d: {  	_ =	shalt  }
0x5e: {  	_ =	shalt  }
0x5f: {  	_ =	shalt  }
0x60: {  	_ =	shalt  }
0x61: {  	_ =	shalt  }
0x62: {  	_ =	shalt  }
0x63: {  	_ =	shalt  }
0x64: {  	_ =	shalt  }
0x65: {  	_ =	shalt  }
0x66: {  	_ =	shalt  }
0x67: {  	_ =	shalt  }
0x68: {  	_ =	shalt  }
0x69: {  	_ =	shalt  }
0x6a: {  	_ =	shalt  }
0x6b: {  	_ =	shalt  }
0x6c: {  	_ =	shalt  }
0x6d: {  	_ =	shalt  }
0x6e: {  	_ =	shalt  }
0x6f: {  	_ =	shalt  }
0x70: {  	_ =	shalt  }
0x71: {  	_ =	shalt  }
0x72: {  	_ =	shalt  }
0x73: {  	_ =	shalt  }
0x74: {  	_ =	shalt  }
0x75: {  	_ =	shalt  }
0x76: {  	_ =	shalt  }
0x77: {  	_ =	shalt  }
0x78: {  	_ =	shalt  }
0x79: {  	_ =	shalt  }
0x7a: {  	_ =	shalt  }
0x7b: {  	_ =	shalt  }
0x7c: {  	_ =	shalt  }
0x7d: {  	_ =	shalt  }
0x7e: {  	_ =	shalt  }
0x7f: {  	_ =	shalt  }
0x80: {  	_ =	shalt  }
0x81: {  	_ =	shalt  }
0x82: {  	_ =	shalt  }
0x83: {  	_ =	shalt  }
0x84: {  	_ =	shalt  }
0x85: {  	_ =	shalt  }
0x86: {  	_ =	shalt  }
0x87: {  	_ =	shalt  }
.Lfunc_end0:
.L_simem_size_0:
called_computation.1_lowered:
.L_overlay_start_0:
0x88: {  	s2 =	sld [smem:$0x3FD9]  }
0x89: {  	s3 =	sld [smem:$0x3FFE];
	_ =	sdelay $0x1  }
0x8a: {  	s1 =	srdreg.scid  }
0x8b: {  	s0 =	sand.u32 $0x1, s1  }
0x8c: {  	s17 =	sshll.u32 s0, $0xA;
	s2 =	sadd.s32 s3, s2  }
0x8d: {  	s2 =	sadd.s32 s2, s17  }
0x8e: {  	[smem:$0x3FC6] =	sst s2  }
0x8f: {  	_ = 	snop  }
0x90: {  	s2 =	sld [smem:$0x3FC9]  }
0x91: {  	s18 =	sld [smem:$0x3FD0];
	(tm) =	ssettm $0x1  }
0x92: {  	s4 =	sld [smem:$0x3FFB];
	_ =	sdelay $0x3  }
0x93: {  	_ =	strace s4  }
0x94: {  	s4 =	sld [smem:$0x3FFC];
	_ =	sdelay $0x3  }
0x95: {  	_ =	strace s4  }
0x96: {  	s4 =	sld [smem:$0x3FFD];
	_ =	sdelay $0x3  }
0x97: {  	_ =	strace s4  }
0x98: {  	_ =	strace $0x8FFFFFFF  }
0x99: {  	s19 =	sld [smem:$0x3FDB];
	_ =	sdelay $0x1  }
0x9a: {  	s5 =	simm.s32 $_scs_section_size  }
0x9b: {  	s6 =	simm.s32 $_size__tile_overlayer_lowered;
	s7 =	simm.s32 $_tile_overlayer_lowered  }
0x9c: {  	s22 =	simm.s32 $0x1BFF;
	s21 =	sshll.u32 s7, $0x1;
	s4 =	sadd.s32 s5, s19  }
0x9d: {  	s8 =	simm.s32 $0x0;
	s20 =	sshll.u32 s6, $0x1;
	s6 =	sadd.s32 s21, s4  }
0x9e: {  	[timem:s8], [sflag:s22] =	dma.local [hbm:s6], s20  }
0x9f: {  	_ =	swait.ge [sflag:s22], s20  }
0xa0: {  	s5 =	ssub.s32 $0x0, s20;
	[sflag:s22] =	ssyncset.done $0x0  }
0xa1: {  	[sflag:s22] =	ssyncadd.s32 s5;
	_ =	sdelay $0x1  }
0xa2: {  	s23 =	simm.s32 $0x1B8B  }
0xa3: {  	_ =	swait.ge [sflag:s23], $0x1  }
0xa4: {  	[sflag:s23] =	ssyncset.done $0x0  }
0xa5: {  	s25 =	simm.s32 $0x1B8E;
	s24 =	sld [smem:$0x3FFE];
	[sflag:s23] =	ssyncadd.s32 $0xFFFFFFFF  }
0xa6: {  	s26 =	simm.s32 $execute0_lowered;
	[smem:$0x3FD2] =	sst s25  }
0xa7: {  	s6 =	sshll.u32 s26, $0x1;
	_ =	strace $0x80000046;
	[dreg:$0x1] =	wrdreg $0xFFFFFFFF  }
0xa8: {  	s28 =	simm.s32 $_size_execute0_lowered;
	s4 =	sadd.s32 s4, s6;
	[dreg:$0x0] =	wrdreg $0x0  }
0xa9: {  	s6 =	sshll.u32 s28, $0x1;
	[dreg:$0x2] =	wrdreg s4  }
0xaa: {  	[dreg:$0x3] =	wrdreg s6  }
0xab: {  	[dreg:$0x4] =	wrdreg $0xC0  }
0xac: {  	_ =	task [dreg:s8], $0x5FFFF  }
0xad: {  	[dreg:$0x1] =	wrdreg $0xFFFFFFFF  }
0xae: {  	[dreg:$0x0] =	wrdreg $0x60  }
0xaf: {  	[dreg:$0x2] =	wrdreg s2  }
0xb0: {  	[dreg:$0x3] =	wrdreg s24  }
0xb1: {  	[dreg:$0x4] =	wrdreg s18  }
0xb2: {  	[dreg:$0x5] =	wrdreg $0x0  }
0xb3: {  	[dreg:$0x6] =	wrdreg $0x9  }
0xb4: {  	_ =	task.clear_ibuf [dreg:s8], $0x7FFFF;
	_ =	strace $0x90000046  }
0xb5: {  	s29 =	simm.s32 $0x9;
	_ =	strace $0x80000048  }
0xb6: {  	_ =	swait.ge [sflag:s29], $0x1  }
0xb7: {  	[sflag:s29] =	ssyncadd.s32 $0xFFFFFFFF  }
0xb8: {  	_ =	strace $0x90000048  }
0xb9: {  	_ =	sfence  }
0xba: {  	s30 =	sld [smem:$0x0];
	_ =	sdelay $0x2  }
0xbb: {  	s31 =	sshll.u32 s1, $0xD;
	s1 =	sshrl.u32 s1, $0x2  }
0xbc: {  	s3 =	sand.u32 $0x4000, s31;
	s1 =	sadd.s32 s1, s30  }
0xbd: {  	s0 =	sor.u32 s3, s0;
	s1 =	sshll.u32 s1, $0x11  }
0xbe: {  	s0 =	sor.u32 s1, s0  }
0xbf: {  	s0 =	sadd.s32 $0x8F2B, s0  }
0xc0: {  	[sflag:s0] =	ssyncadd.remote.s32 $0x1  }
0xc1: {  	_ =	sfence.sel $0xFFFF  }
0xc2: {  	[dreg:$0x0] =	wrdreg $0xFFFFFFFF;
	(pc) =	sbr.abs _section_cstart, $3  }
0xc3: {  	[dreg:$0x1] =	wrdreg $0xFFFFFFFF  }
0xc4: {  	_ =	task.clear_ibuf [dreg:s8], $0x2FFFF;
	_ =	strace $0x9FFFFFFF  }
0xc5: {  	(tm) =	ssettm $0x7FFFFFFF  }
tec
execute0_lowered:
.L_overlay_start_1:
0x0: {  	(tag) =	ssettag $0x1  }
0x1: {  	s1 =	rddreg [dreg:$0x0]  }
0x2: {  	s0 =	rddreg [dreg:$0x1]  }
0x3: {  	s2 =	rddreg [dreg:$0x2]  }
0x4: {  	s3 =	rddreg [dreg:$0x3];
	s4 =	simm.s32 $0x0;
	s11 =	stileid.u32  }
0x5: {  	s5 =	srdreg.scid;
	s17 =	simm.s32 $0x2;
	s28 =	simm.s32 $0x1A5E0  }
0x6: {  	s29 =	simm.s32 $0x6;
	s30 =	simm.s32 $0x4;
	s31 =	simm.s32 $0x1BEE0  }
0x7: {  	s15 =	simm.s32 $0x0;
	[smem:$0x7FF] =	sst s4;
	s6 =	smul.u32 $0x186A0, s11  }
0x8: {  	s5 =	sand.u32 $0x1, s5;
	s8 =	sshll.u32 s11, $0x1;
	s20 =	sshll.u32 s11, $0x6  }
0x9: {  	s24 =	smul.u32 $0x64000, s11;
	_ =	strace $0x80000047;
	s7 =	ssub.s32 $0x2, s5  }
0xa: {  	s8 =	sor.u32 s5, s8;
	s21 =	sor.u32 $0x1C01, s20;
	s5 =	smul.u32 $0x32000, s5  }
0xb: {  	s20 =	simm.s32 $0x18830;
	s9 =	sshrl.u32 s6, $0x3;
	s10 =	sshrl.u32 s7, $0x1  }
0xc: {  	s19 =	smul.u32 $0x3200, s8;
	s8 =	sshll.u32 s8, $0x9;
	s6 =	sadd.s32 s6, s3  }
0xd: {  	[dreg:$0x6] =	wrdreg s21;
	s21 =	simm.s32 $0x189C0;
	s0 =	sadd.s32 s9, s0  }
0xe: {  	s7 =	ssub.s32 s7, s10;
	s11 =	sor.u32 $0x8, s8;
	s12 =	sor.u32 $0xA, s8  }
0xf: {  	s13 =	sor.u32 $0xC, s8;
	s14 =	sor.u32 $0xE, s8;
	s26 =	sshrl.u32 s6, $0x3  }
0x10: {  	s6 =	simm.s32 $0x8;
	s8 =	simm.s32 $0x9;
	s10 =	simm.s32 $0xB  }
0x11: {  	s0 =	sadd.s32 $0x800, s0;
	s9 =	sadd.s32 s1, s19;
	[dreg:$0xc] =	wrdreg s26  }
0x12: {  	s25 =	smax.u32 s7, $0x1;
	s19 =	simm.s32 $0x186A0;
	[dreg:$0x5] =	wrdreg s0  }
0x13: {  	s26 =	simm.s32 $0x3;
	s22 =	sadd.s32 $0x32, s9;
	[dreg:$0x7] =	wrdreg s9  }
.Ltmp0:
0x14: {  	s23 =	sadd.s32 $0x64, s9;
	[dreg:$0xb] =	wrdreg s25;
	(pc) =	sbr.rel .LBB2_1-.Ltmp0, $4  }
0x15: {  	s9 =	sadd.s32 $0x96, s9;
	s0 =	sadd.s32 s24, s2;
	[dreg:$0x8] =	wrdreg s22  }
0x16: {  	s24 =	simm.s32 $0x190;
	s25 =	simm.s32 $0x18CE0;
	[dreg:$0x9] =	wrdreg s23  }
0x17: {  	s2 =	simm.s32 $0x5;
	[dreg:$0xa] =	wrdreg s9;
	s16 =	sadd.s32 s5, s0  }
0x18: {  	s22 =	simm.s32 $0x18B50;
	s0 =	simm.s32 $0x7;
	s5 =	simm.s32 $0x1D7E0  }
.LBB2_4:
0x19: {  	s17 =	simm.s32 $0x2  }
0x1a: {  	_ =	swait.ge [sflag:s17], $0x190  }
0x1b: {  	[sflag:s17] =	ssyncset.done $0x0  }
0x1c: {  	s7 =	simm.s32 $0xA;
	[sflag:s17] =	ssyncadd.s32 $0xFFFFFE70  }
0x1d: {  	_ =	swait.ge [sflag:s7], $0x1900  }
0x1e: {  	[sflag:s7] =	ssyncset.done $0x0  }
0x1f: {  	[sflag:s7] =	ssyncadd.s32 $0xFFFFE700  }
0x20: {  	_ =	swait.ge [sflag:s26], $0x190  }
0x21: {  	[sflag:s26] =	ssyncset.done $0x0  }
0x22: {  	[sflag:s26] =	ssyncadd.s32 $0xFFFFFE70  }
0x23: {  	_ =	swait.ge [sflag:s10], $0x1900  }
0x24: {  	[sflag:s10] =	ssyncset.done $0x0  }
0x25: {  	[sflag:s10] =	ssyncadd.s32 $0xFFFFE700  }
0x26: {  	_ =	swait.ge [sflag:s30], $0x190  }
0x27: {  	[sflag:s30] =	ssyncset.done $0x0  }
0x28: {  	s18 =	simm.s32 $0xC;
	[sflag:s30] =	ssyncadd.s32 $0xFFFFFE70  }
0x29: {  	_ =	swait.ge [sflag:s18], $0x1900  }
0x2a: {  	[sflag:s18] =	ssyncset.done $0x0  }
0x2b: {  	[sflag:s18] =	ssyncadd.s32 $0xFFFFE700  }
0x2c: {  	_ =	swait.ge [sflag:s2], $0x190  }
0x2d: {  	[sflag:s2] =	ssyncset.done $0x0  }
0x2e: {  	s9 =	simm.s32 $0xD;
	[sflag:s2] =	ssyncadd.s32 $0xFFFFFE70  }
0x2f: {  	_ =	swait.ge [sflag:s9], $0x1900  }
0x30: {  	s15 =	rddreg [dreg:$0xd]  }
0x31: {  	s23 =	rddreg [dreg:$0xb];
	s15 =	sadd.s32 $0x1, s15  }
0x32: {  	p0 =	sne.s32 s15, s23  }
.Ltmp1:
0x33: {  	_ = 	snop;
	(pc) =	sbr.rel @!p0 .LBB2_5-.Ltmp1, $3  }
0x34: {  	_ =	sdelay $0x1  }
0x35: {  	[sflag:s9] =	ssyncset.done $0x0  }
0x36: {  	[sflag:s9] =	ssyncadd.s32 $0xFFFFE700  }
.LBB2_1:
0x37: {  	[dreg:$0xd] =	wrdreg s15  }
0x38: {  	s7 =	rddreg [dreg:$0x5]  }
0x39: {  	s9 =	rddreg [dreg:$0x6]  }
0x3a: {  	s18 =	rddreg [dreg:$0xc];
	s23 =	simm.s32 $0x1  }
0x3b: {  	[spmem:s18], [sflag:s9] =	dma.local [hbm:s7], $0x30D4  }
0x3c: {  	_ =	swait.ge [sflag:s23], $0x30D4  }
0x3d: {  	[sflag:s23] =	ssyncset.done $0x0  }
0x3e: {  	[sflag:s23] =	ssyncadd.s32 $0xFFFFCF2C  }
0x3f: {  	[bflag:$0x0] =	sbarrier.arrive $0xFFFF  }
0x40: {  	s9 =	rddreg [dreg:$0x7]  }
0x41: {  	[tilespmem:s19], [sflag:$0x2] =	stream.linear.gather [hbm4b:s9+s4], $0x190, $0x38;
	[tilespmem:$0x1F0E0] =	vst v63  }
0x42: {  	s15 =	rddreg [dreg:$0x8]  }
0x43: {  	[tilespmem:s20], [sflag:$0x3] =	stream.linear.gather [hbm4b:s15+s4], $0x190, $0x38;
	[tilespmem:$0x1F0E0] =	vst v63  }
0x44: {  	s18 =	rddreg [dreg:$0x9]  }
0x45: {  	[tilespmem:s21], [sflag:$0x4] =	stream.linear.gather [hbm4b:s18+s4], $0x190, $0x38;
	[tilespmem:$0x1F0E0] =	vst v63  }
0x46: {  	s23 =	rddreg [dreg:$0xa]  }
0x47: {  	[tilespmem:s22], [sflag:$0x5] =	stream.linear.gather [hbm4b:s23+s4], $0x190, $0x38;
	[tilespmem:$0x1F0E0] =	vst v63  }
0x48: {  	_ =	swait.ge [sflag:s17], $0x190  }
0x49: {  	[sflag:s17] =	ssyncset.done $0x0  }
0x4a: {  	[sflag:s17] =	ssyncadd.s32 $0xFFFFFE70  }
0x4b: {  	[tilespmem:s25], [sflag:$0x6] =	stream.indirect.gather [spmem:s3], $0x10, s19, s24, $0xb8;
	[tilespmem:$0x1F0E0] =	vst v63  }
0x4c: {  	_ =	swait.ge [sflag:s26], $0x190  }
0x4d: {  	[sflag:s26] =	ssyncset.done $0x0  }
0x4e: {  	s9 =	simm.s32 $0x0;
	s18 =	simm.s32 $0x0;
	[sflag:s26] =	ssyncadd.s32 $0xFFFFFE70  }
0x4f: {  	[tilespmem:s28], [sflag:$0x7] =	stream.indirect.gather [spmem:s3], $0x10, s20, s24, $0xb8;
	[tilespmem:$0x1F0E0] =	vst v63  }
.LBB2_2:
0x50: {  	s15 =	smin.u32 s18, $0xFB  }
0x51: {  	_ =	swait.ge [sflag:s29], $0x1900;
	s15 =	sshll.u32 s15, $0x1  }
0x52: {  	[sflag:s29] =	ssyncset.done $0x0;
	s17 =	sadd.s32 s11, s15  }
0x53: {  	[sflag:s29] =	ssyncadd.s32 $0xFFFFE700;
	s15 =	sadd.s32 s9, s16;
	s17 =	smul.u32 $0x19, s17  }
0x54: {  	[hbm4b:s15+s4] =	stream.linear.scatter [tilespmem:s25], [sflag:$0xA], $0x1900, $0x38;
	[tilespmem:$0x1F0E0] =	vst v63  }
0x55: {  	s17 =	sadd.s32 s1, s17  }
0x56: {  	[tilespmem:s19], [sflag:$0x2] =	stream.linear.gather [hbm4b:s17+s4], $0x190, $0x38;
	[tilespmem:$0x1F0E0] =	vst v63  }
0x57: {  	_ =	swait.ge [sflag:s30], $0x190  }
0x58: {  	p0 =	seq.s32 s9, $0x0;
	[sflag:s30] =	ssyncset.done $0x0  }
0x59: {  	s17 =	simm.s32 @!p0 $0xC;
	[sflag:s30] =	ssyncadd.s32 $0xFFFFFE70  }
0x5a: {  	_ =	swait.ge @!p0 [sflag:s17], $0x1900  }
0x5b: {  	[sflag:s17] =	ssyncset.done @!p0 $0x0  }
0x5c: {  	s7 =	smin.u32 s18, $0xFA;
	[sflag:s17] =	ssyncadd.s32 @!p0 $0xFFFFE700  }
0x5d: {  	[tilespmem:s31], [sflag:$0x8] =	stream.indirect.gather [spmem:s3], $0x10, s21, s24, $0xb8;
	[tilespmem:$0x1F0E0] =	vst v63  }
0x5e: {  	s17 =	sshll.u32 s7, $0x1;
	_ =	swait.ge [sflag:s0], $0x1900  }
0x5f: {  	s17 =	sadd.s32 s12, s17;
	[sflag:s0] =	ssyncset.done $0x0  }
0x60: {  	s23 =	sadd.s32 $0x320, s15;
	s17 =	smul.u32 $0x19, s17;
	[sflag:s0] =	ssyncadd.s32 $0xFFFFE700  }
0x61: {  	[hbm4b:s23+s4] =	stream.linear.scatter [tilespmem:s28], [sflag:$0xB], $0x1900, $0x38;
	[tilespmem:$0x1F0E0] =	vst v63  }
0x62: {  	s17 =	sadd.s32 s1, s17  }
0x63: {  	[tilespmem:s20], [sflag:$0x3] =	stream.linear.gather [hbm4b:s17+s4], $0x190, $0x38;
	[tilespmem:$0x1F0E0] =	vst v63  }
0x64: {  	_ =	swait.ge [sflag:s2], $0x190  }
0x65: {  	[sflag:s2] =	ssyncset.done $0x0  }
0x66: {  	s17 =	simm.s32 @!p0 $0xD;
	[sflag:s2] =	ssyncadd.s32 $0xFFFFFE70  }
0x67: {  	_ =	swait.ge @!p0 [sflag:s17], $0x1900  }
0x68: {  	[sflag:s17] =	ssyncset.done @!p0 $0x0  }
0x69: {  	s23 =	smin.u32 s18, $0xF9;
	[sflag:s17] =	ssyncadd.s32 @!p0 $0xFFFFE700  }
0x6a: {  	[tilespmem:s5], [sflag:$0x9] =	stream.indirect.gather [spmem:s3], $0x10, s22, s24, $0xb8;
	[tilespmem:$0x1F0E0] =	vst v63  }
0x6b: {  	s17 =	sshll.u32 s23, $0x1;
	_ =	swait.ge [sflag:s6], $0x1900  }
0x6c: {  	s17 =	sadd.s32 s17, s13;
	[sflag:s6] =	ssyncset.done $0x0  }
0x6d: {  	s7 =	sadd.s32 $0x640, s15;
	s17 =	smul.u32 $0x19, s17;
	[sflag:s6] =	ssyncadd.s32 $0xFFFFE700  }
0x6e: {  	[hbm4b:s7+s4] =	stream.linear.scatter [tilespmem:s31], [sflag:$0xC], $0x1900, $0x38;
	[tilespmem:$0x1F0E0] =	vst v63  }
0x6f: {  	p0 =	seq.s32 s9, $0x31380;
	s17 =	sadd.s32 s1, s17  }
0x70: {  	[tilespmem:s21], [sflag:$0x4] =	stream.linear.gather [hbm4b:s17+s4], $0x190, $0x38;
	[tilespmem:$0x1F0E0] =	vst v63  }
0x71: {  	s17 =	simm.s32 @!p0 $0x2  }
0x72: {  	_ =	swait.ge @!p0 [sflag:s17], $0x190  }
0x73: {  	[sflag:s17] =	ssyncset.done @!p0 $0x0  }
0x74: {  	[sflag:s17] =	ssyncadd.s32 @!p0 $0xFFFFFE70;
	s17 =	simm.s32 @!p0 $0xA  }
0x75: {  	_ =	swait.ge @!p0 [sflag:s17], $0x1900  }
0x76: {  	s23 =	simm.s32 @!p0 $0x186A0;
	[sflag:s17] =	ssyncset.done @!p0 $0x0  }
0x77: {  	s7 =	simm.s32 @!p0 $0x18CE0;
	[sflag:s17] =	ssyncadd.s32 @!p0 $0xFFFFE700;
	s17 =	simm.s32 @!p0 $0x190  }
0x78: {  	[tilespmem:s7], [sflag:$0x6] =	stream.indirect.gather @!p0 [spmem:s3], $0x10, s23, s17, $0xb8;
	[tilespmem:$0x1F0E0] =	vst v63  }
0x79: {  	s23 =	smin.u32 s18, $0xF8  }
0x7a: {  	_ =	swait.ge [sflag:s8], $0x1900;
	s7 =	sshll.u32 s23, $0x1  }
.Ltmp2:
0x7b: {  	[sflag:s8] =	ssyncset.done $0x0;
	s7 =	sadd.s32 s7, s14;
	(pc) =	sbr.rel @p0 .LBB2_4-.Ltmp2, $4  }
0x7c: {  	s15 =	sadd.s32 $0x960, s15;
	[sflag:s8] =	ssyncadd.s32 $0xFFFFE700;
	s7 =	smul.u32 $0x19, s7  }
0x7d: {  	[hbm4b:s15+s4] =	stream.linear.scatter [tilespmem:s5], [sflag:$0xD], $0x1900, $0x38;
	[tilespmem:$0x1F0E0] =	vst v63  }
0x7e: {  	s7 =	sadd.s32 s1, s7  }
0x7f: {  	[tilespmem:s22], [sflag:$0x5] =	stream.linear.gather [hbm4b:s7+s4], $0x190, $0x38;
	[tilespmem:$0x1F0E0] =	vst v63  }
0x80: {  	_ =	swait.ge [sflag:s26], $0x190  }
0x81: {  	[sflag:s26] =	ssyncset.done $0x0  }
.Ltmp3:
0x82: {  	[sflag:s26] =	ssyncadd.s32 $0xFFFFFE70;
	(pc) =	sbr.rel .LBB2_2-.Ltmp3, $4  }
0x83: {  	_ =	swait.ge [sflag:s10], $0x1900  }
0x84: {  	[sflag:s10] =	ssyncset.done $0x0  }
0x85: {  	s9 =	sadd.s32 $0xC80, s9;
	s18 =	sadd.s32 $0x4, s18;
	[sflag:s10] =	ssyncadd.s32 $0xFFFFE700  }
0x86: {  	[tilespmem:s28], [sflag:$0x7] =	stream.indirect.gather [spmem:s3], $0x10, s20, s24, $0xb8;
	[tilespmem:$0x1F0E0] =	vst v63  }
.LBB2_5:
0x87: {  	_ =	sfence.sel $0x180000  }
0x88: {  	[bflag:$0x0] =	sbarrier.arrive $0xFFFF  }
0x89: {  	_ =	strace $0x90000047  }
0x8a: {  	s0 =	stileid.u32;
	[bflag:$0x2] =	sbarrier.arrive $0xFFFF  }
0x8b: {  	p0 =	sne.s32 s0, $0x0;
	s0 =	rddreg [dreg:$0x4]  }
0x8c: {  	s0 =	sadd.s32 @!p0 $0x100000, s0  }
0x8d: {  	[sflag:s0] =	ssyncadd.tile.s32 @!p0 $0x1;
	_ =	shalt  }
.Lfunc_end2:
_tile_overlayer_lowered:
.L_overlay_start_2:
0x8e: {  	(tag) =	ssettag $0x2  }
0x8f: {  	s0 =	rddreg [dreg:$0x0];
	s2 =	stileid.u32  }
0x90: {  	s1 =	rddreg [dreg:$0x1];
	p0 =	sne.s32 s2, $0x0  }
0x91: {  	s3 =	rddreg [dreg:$0x2];
	[bflag:$0x3] =	sbarrier.arrive $0xFFFF;
	s2 =	simm.s32 @!p0 $0x1C0E  }
0x92: {  	[timem:s3], [sflag:s2] =	dma.local @!p0 [hbm:s0], s1  }
0x93: {  	s0 =	simm.s32 @!p0 $0xE  }
0x94: {  	_ =	swait.ge @!p0 [sflag:s0], s1  }
0x95: {  	s1 =	ssub.s32 @!p0 $0x0, s1;
	[sflag:s0] =	ssyncset.done @!p0 $0x0  }
0x96: {  	[sflag:s0] =	ssyncadd.s32 @!p0 s1  }
0x97: {  	[bflag:$0x3] =	sbarrier.arrive $0xFFFF  }
0x98: {  	_ =	shalt  }

// kernel: sparse-core-data-format-call.cloned.1.call-start
scs
called_computation_lowered:
.L_overlay_start_0:
0x0: {  	s2 =	sld [smem:$0x3FD9]  }
0x1: {  	s3 =	sld [smem:$0x3FFE];
	_ =	sdelay $0x1  }
0x2: {  	s1 =	srdreg.scid  }
0x3: {  	s0 =	sand.u32 $0x1, s1  }
0x4: {  	s18 =	sshll.u32 s0, $0xA;
	s2 =	sadd.s32 s3, s2  }
0x5: {  	s2 =	sadd.s32 s2, s18  }
0x6: {  	[smem:$0x3FC6] =	sst s2  }
0x7: {  	_ = 	snop  }
0x8: {  	s2 =	sld [smem:$0x3FD0];
	(tm) =	ssettm $0x1  }
0x9: {  	s19 =	sld [smem:$0x3FFB];
	_ =	sdelay $0x3  }
0xa: {  	_ =	strace s19  }
0xb: {  	s3 =	sld [smem:$0x3FFC];
	_ =	sdelay $0x3  }
0xc: {  	_ =	strace s3  }
0xd: {  	s3 =	sld [smem:$0x3FFD];
	_ =	sdelay $0x3  }
0xe: {  	_ =	strace s3  }
0xf: {  	_ =	strace $0x8FFFFFFF  }
0x10: {  	s20 =	sld [smem:$0x3FDB];
	_ =	sdelay $0x1  }
0x11: {  	s4 =	simm.s32 $_scs_section_size  }
0x12: {  	s5 =	simm.s32 $_size__tile_overlayer_lowered;
	s6 =	simm.s32 $_tile_overlayer_lowered  }
0x13: {  	s23 =	simm.s32 $0x1BFF;
	s22 =	sshll.u32 s6, $0x1;
	s3 =	sadd.s32 s4, s20  }
0x14: {  	s7 =	simm.s32 $0x0;
	s21 =	sshll.u32 s5, $0x1;
	s5 =	sadd.s32 s22, s3  }
0x15: {  	[timem:s7], [sflag:s23] =	dma.local [hbm:s5], s21  }
0x16: {  	_ =	swait.ge [sflag:s23], s21  }
0x17: {  	s4 =	ssub.s32 $0x0, s21;
	[sflag:s23] =	ssyncset.done $0x0  }
0x18: {  	[sflag:s23] =	ssyncadd.s32 s4;
	_ =	sdelay $0x1  }
0x19: {  	s24 =	simm.s32 $0x1B8B  }
0x1a: {  	_ =	swait.ge [sflag:s24], $0x1  }
0x1b: {  	[sflag:s24] =	ssyncset.done $0x0  }
0x1c: {  	s26 =	simm.s32 $0x1B8E;
	s25 =	sld [smem:$0x3FFE];
	[sflag:s24] =	ssyncadd.s32 $0xFFFFFFFF  }
0x1d: {  	s27 =	simm.s32 $execute0_lowered;
	[smem:$0x3FD2] =	sst s26  }
0x1e: {  	s5 =	sshll.u32 s27, $0x1;
	_ =	strace $0x80000049;
	[dreg:$0x1] =	wrdreg $0xFFFFFFFF  }
0x1f: {  	s28 =	simm.s32 $_size_execute0_lowered;
	s3 =	sadd.s32 s3, s5;
	[dreg:$0x0] =	wrdreg $0x0  }
0x20: {  	s5 =	sshll.u32 s28, $0x1;
	[dreg:$0x2] =	wrdreg s3  }
0x21: {  	[dreg:$0x3] =	wrdreg s5  }
0x22: {  	[dreg:$0x4] =	wrdreg $0xC0  }
0x23: {  	_ =	task [dreg:s7], $0x5FFFF  }
0x24: {  	[dreg:$0x1] =	wrdreg $0xFFFFFFFF  }
0x25: {  	[dreg:$0x0] =	wrdreg $0x60  }
0x26: {  	[dreg:$0x2] =	wrdreg s25  }
0x27: {  	[dreg:$0x3] =	wrdreg s2  }
0x28: {  	[dreg:$0x4] =	wrdreg $0x9  }
0x29: {  	_ =	task.clear_ibuf [dreg:s7], $0x5FFFF;
	_ =	strace $0x90000049  }
0x2a: {  	s29 =	simm.s32 $0x9;
	_ =	strace $0x8000004B  }
0x2b: {  	_ =	swait.ge [sflag:s29], $0x1  }
0x2c: {  	[sflag:s29] =	ssyncadd.s32 $0xFFFFFFFF  }
0x2d: {  	_ =	strace $0x9000004B  }
0x2e: {  	_ =	sfence  }
0x2f: {  	s30 =	sld [smem:$0x0];
	_ =	sdelay $0x2  }
0x30: {  	s31 =	sshll.u32 s1, $0xD;
	s1 =	sshrl.u32 s1, $0x2  }
0x31: {  	s3 =	sand.u32 $0x4000, s31;
	s1 =	sadd.s32 s1, s30  }
0x32: {  	s0 =	sor.u32 s3, s0;
	s1 =	sshll.u32 s1, $0x11  }
0x33: {  	s0 =	sor.u32 s1, s0  }
0x34: {  	s0 =	sadd.s32 $0x8F2B, s0  }
0x35: {  	[sflag:s0] =	ssyncadd.remote.s32 $0x1  }
0x36: {  	_ =	sfence.sel $0xFFFF  }
0x37: {  	[dreg:$0x0] =	wrdreg $0xFFFFFFFF;
	(pc) =	sbr.abs _section_cstart, $3  }
0x38: {  	[dreg:$0x1] =	wrdreg $0xFFFFFFFF  }
0x39: {  	_ =	task.clear_ibuf [dreg:s7], $0x2FFFF;
	_ =	strace $0x9FFFFFFF  }
0x3a: {  	(tm) =	ssettm $0x7FFFFFFF  }
0x3b: {  	_ =	shalt  }
tec
execute0_lowered:
.L_overlay_start_1:
0x0: {  	(tag) =	ssettag $0x1  }
0x1: {  	s0 =	srdreg.scid  }
0x2: {  	s1 =	sshll.u32 s0, $0x4  }
0x3: {  	s4 =	rddreg [dreg:$0x0];
	s0 =	stileid.u32;
	s1 =	sand.u32 $0x10, s1  }
0x4: {  	s2 =	rddreg [dreg:$0x1];
	s7 =	simm.s32 $0x1;
	s1 =	sor.u32 s0, s1  }
0x5: {  	s8 =	simm.s32 $0x2;
	s11 =	simm.s32 $0x0;
	s3 =	sshll.u32 s1, $0x7  }
0x6: {  	s10 =	simm.s32 $0x0;
	s4 =	sadd.s32 $0x800, s4;
	s6 =	ssub.s32 $0x320000, s3  }
.Ltmp0:
0x7: {  	s1 =	rddreg [dreg:$0x2];
	s5 =	sand.u32 $0xF80, s6;
	(pc) =	sbr.rel .LBB1_1-.Ltmp0, $4  }
0x8: {  	_ =	strace $0x8000004A;
	s9 =	smov.u32 s3;
	p0 =	sne.s32 s5, $0x0  }
0x9: {  	s6 =	sshrl.u32 s6, $0xC;
	s5 =	simm.s32 $0x1;
	s7 =	simm.s32 @!p0 $0x0  }
0xa: {  	[sflag:s5] =	ssyncpa.u1 $0x0;
	p0 =	por $0x0, $0x0;
	s6 =	sadd.s32 s7, s6  }
0xb: {  	[sflag:s8] =	ssyncpa.u1 $0x0;
	s8 =	simm.s32 $0x1900000;
	s7 =	sadd.s32 $0x1, s6  }
.LBB1_4:
0xc: {  	s14 =	sshll.u32 s11, $0x3  }
0xd: {  	s30 =	sand.u32 $0x7F, s11;
	s15 =	sand.u32 $0xFFFFFC00, s14  }
0xe: {  	s11 =	sor.u32 s30, s15  }
0xf: {  	s15 =	smulhi.u32 $0x51EB851F, s11  }
0x10: {  	s14 =	smulhi.u32 $0x51EB851F, s14  }
0x11: {  	s15 =	sshrl.u32 s15, $0x14  }
0x12: {  	s14 =	sshrl.u32 s14, $0x14;
	s15 =	smul.u32 $0x320000, s15  }
0x13: {  	[tilespmem:s12+$0xFFFFFFFC ss:$0x81] =	vst.msk $0xffff, v1;
	s14 =	sand.u32 $0xF, s14  }
0x14: {  	[tilespmem:s12+$0xFFFFFFFD ss:$0x81] =	vst.msk $0xffff, v2;
	s14 =	smul.u32 $0x64000, s14;
	s11 =	ssub.s32 s11, s15  }
0x15: {  	[tilespmem:s12+$0xFFFFFFFE ss:$0x81] =	vst.msk $0xffff, v0;
	s15 =	sand.u32 $0x7, s11  }
0x16: {  	[tilespmem:s12+$0xFFFFFFFF ss:$0x81] =	vst.msk $0xffff, v4;
	s14 =	sadd.s32 s2, s14;
	s11 =	sshrl.u32 s11, $0x3;
	s15 =	sshll.u32 s15, $0x12  }
0x17: {  	[tilespmem:s12+$0xFFFFFFF9 ss:$0x81] =	vst.msk $0xffff, v3;
	s11 =	sadd.s32 s11, s14;
	s31 =	sor.u32 $0x400, s15  }
0x18: {  	[hbm4b:s11+s31] =	stream.strided.scatter [tilespmem:s13], [sflag:$0x2], $0x800, s8, s31, $0x20;
	[tilespmem:$0x2020] =	vst v63  }
.LBB1_5:
0x19: {  	s13 =	sadd.s32 $0x1000, s9  }
0x1a: {  	p2 =	sgt.s32 s13, $0x31FFFF  }
0x1b: {  	s13 =	smov.u32 @p2 s3;
	p2 =	sne.s32 s10, s7  }
.Ltmp1:
0x1c: {  	p1 =	slt.u32 s10, $0x2;
	(pc) =	sbr.rel @!p2 .LBB1_6-.Ltmp1, $4  }
0x1d: {  	s12 =	simm.s32 @!p1 $0x2  }
0x1e: {  	s14 =	sadd.s32 $0x1, s10;
	_ =	swait.ge @!p1 [sflag:s12], $0x800  }
0x1f: {  	s11 =	smov.u32 s9;
	p0 =	por !p0, !p0;
	[sflag:s12] =	ssyncset.done @!p1 $0x0  }
0x20: {  	s10 =	smov.u32 s14;
	s9 =	smov.u32 s13;
	[sflag:s12] =	ssyncadd.s32 @!p1 $0xFFFFF800  }
.LBB1_1:
0x21: {  	p1 =	sge.u32 s10, s6  }
0x22: {  	s12 =	sand.u32 @!p1 $0x1FFFFFF, s9  }
0x23: {  	s13 =	smulhi.u32 @!p1 $0x147AE15, s12;
	_ =	sdelay $0x1  }
0x24: {  	s13 =	sshrl.u32 @!p1 s13, $0xE  }
0x25: {  	s13 =	smul.u32 @!p1 $0x320000, s13;
	_ =	sdelay $0x1  }
0x26: {  	s31 =	sadd.s32 $0xFFFFFFFF, s10;
	s14 =	sxor.u32 @!p1 $0xFFFFFFFF, s10;
	s12 =	ssub.s32 @!p1 s12, s13  }
0x27: {  	s15 =	simm.s32 @!p1 $0x80;
	s14 =	sshll.u32 @!p1 s14, $0xB;
	s12 =	sshll.u32 @!p1 s12, $0x4  }
0x28: {  	s13 =	sand.u32 @!p1 $0x800, s14;
	s14 =	simm.s32 @!p1 $0x10;
	s12 =	sadd.s32 @!p1 s4, s12  }
0x29: {  	[tilespmem:s13], [sflag:$0x1] =	stream.strided.gather @!p1 [hbm4b:s12+s14], $0x800, s15, s14, $0x38;
	[tilespmem:$0x2020] =	vst v63  }
0x2a: {  	p1 =	sge.u32 s31, s6  }
.Ltmp2:
0x2b: {  	_ = 	snop;
	(pc) =	sbr.rel @p1 .LBB1_5-.Ltmp2, $1  }
0x2c: {  	_ =	sdelay $0x3  }
0x2d: {  	s12 =	simm.s32 $0x1  }
0x2e: {  	_ =	swait.ge [sflag:s5], $0x800;
	s12 =	simm.s32 @!p0 $0x0  }
0x2f: {  	[sflag:s5] =	ssyncset.done $0x0;
	s13 =	sshll.u32 s12, $0xB  }
0x30: {  	[sflag:s5] =	ssyncadd.s32 $0xFFFFF800;
	s15 =	sor.u32 $0x40, s13  }
0x31: {  	v3 =	vld [tilespmem:s15+$0x30]  }
0x32: {  	s12 =	smul.u32 $0x2040, s12;
	v4 =	vld [tilespmem:s15+$0xFFFFFFD0]  }
0x33: {  	v5 =	vld [tilespmem:s15+$0xFFFFFFE0]  }
0x34: {  	s31 =	sand.u32 $0x1, s10;
	s12 =	sshrl.u32 s12, $0x2;
	v1 =	vld [tilespmem:s15+$0xFFFFFFF0]  }
0x35: {  	s13 =	smul.u32 $0x2040, s31;
	v2 =	vld [tilespmem:s15+$0x0];
	s12 =	sor.u32 $0x1007, s12  }
0x36: {  	v0 =	vld [tilespmem:s15+$0x10];
	[tilespmem:s12+$0x0 ss:$0x81] =	vst.msk $0xffff, v3  }
0x37: {  	s13 =	sshrl.u32 s13, $0x2;
	[tilespmem:s12+$0xFFFFFFFA ss:$0x81] =	vst.msk $0xffff, v4;
	v4 =	vld [tilespmem:s15+$0x20]  }
0x38: {  	s14 =	simm.s32 $0x0;
	s13 =	sor.u32 $0x1000, s13;
	v3 =	vld [tilespmem:s15+$0xFFFFFFC0];
	[tilespmem:s12+$0xFFFFFFFB ss:$0x81] =	vst.msk $0xffff, v5;
	s15 =	sadd.s32 $0x80, s15  }
.LBB1_3:
0x39: {  	v5 =	vld [tilespmem:s15+$0x30];
	s14 =	sadd.s32 $0x8, s14;
	[tilespmem:s12+$0xFFFFFFFC ss:$0x81] =	vst.msk $0xffff, v1  }
0x3a: {  	v6 =	vld [tilespmem:s15+$0xFFFFFFD0];
	p1 =	slt.u32 s14, $0x78;
	[tilespmem:s12+$0xFFFFFFFD ss:$0x81] =	vst.msk $0xffff, v2  }
0x3b: {  	v7 =	vld [tilespmem:s15+$0xFFFFFFE0];
	[tilespmem:s12+$0xFFFFFFFE ss:$0x81] =	vst.msk $0xffff, v0  }
.Ltmp3:
0x3c: {  	v1 =	vld [tilespmem:s15+$0xFFFFFFF0];
	[tilespmem:s12+$0xFFFFFFFF ss:$0x81] =	vst.msk $0xffff, v4;
	(pc) =	sbr.rel @p1 .LBB1_3-.Ltmp3, $4  }
0x3d: {  	v2 =	vld [tilespmem:s15+$0x0];
	[tilespmem:s12+$0xFFFFFFF9 ss:$0x81] =	vst.msk $0xffff, v3;
	s12 =	sadd.s32 $0x8, s12  }
0x3e: {  	v0 =	vld [tilespmem:s15+$0x10];
	[tilespmem:s12+$0x0 ss:$0x81] =	vst.msk $0xffff, v5  }
0x3f: {  	[tilespmem:s12+$0xFFFFFFFA ss:$0x81] =	vst.msk $0xffff, v6;
	v4 =	vld [tilespmem:s15+$0x20]  }
0x40: {  	v3 =	vld [tilespmem:s15+$0xFFFFFFC0];
	[tilespmem:s12+$0xFFFFFFFB ss:$0x81] =	vst.msk $0xffff, v7;
	s15 =	sadd.s32 $0x80, s15  }
.Ltmp4:
0x41: {  	_ = 	snop;
	(pc) =	sbr.rel .LBB1_4-.Ltmp4, $1  }
0x42: {  	_ =	sdelay $0x3  }
.LBB1_6:
0x43: {  	_ =	sfence.sel $0x180000  }
0x44: {  	s2 =	simm.s32 $0x1;
	[bflag:$0x0] =	sbarrier.arrive $0xFFFF  }
0x45: {  	s31 =	simm.s32 $0x2;
	[sflag:s2] =	ssyncpa.u1 $0x1  }
0x46: {  	[sflag:s31] =	ssyncpa.u1 $0x1  }
0x47: {  	p0 =	sne.s32 s0, $0x0;
	_ =	strace $0x9000004A  }
0x48: {  	s0 =	sadd.s32 @!p0 $0x100000, s1;
	[bflag:$0x2] =	sbarrier.arrive $0xFFFF  }
0x49: {  	[sflag:s0] =	ssyncadd.tile.s32 @!p0 $0x1;
	_ =	shalt  }
.Lfunc_end1:
_tile_overlayer_lowered:
.L_overlay_start_2:
0x4a: {  	(tag) =	ssettag $0x2  }
0x4b: {  	s0 =	rddreg [dreg:$0x0];
	s2 =	stileid.u32  }
0x4c: {  	s1 =	rddreg [dreg:$0x1];
	p0 =	sne.s32 s2, $0x0  }
0x4d: {  	s3 =	rddreg [dreg:$0x2];
	[bflag:$0x3] =	sbarrier.arrive $0xFFFF;
	s2 =	simm.s32 @!p0 $0x1C01  }
0x4e: {  	[timem:s3], [sflag:s2] =	dma.local @!p0 [hbm:s0], s1  }
0x4f: {  	s0 =	simm.s32 @!p0 $0x1  }
0x50: {  	_ =	swait.ge @!p0 [sflag:s0], s1  }
0x51: {  	s1 =	ssub.s32 @!p0 $0x0, s1;
	[sflag:s0] =	ssyncset.done @!p0 $0x0  }
0x52: {  	[sflag:s0] =	ssyncadd.s32 @!p0 s1  }
0x53: {  	[bflag:$0x3] =	sbarrier.arrive $0xFFFF  }
0x54: {  	_ =	shalt  }

</sc_bundles>
